<compile_context>
chip_gen: v7x
topology: tpu7x:2x2x1
jax: 0.10.2.dev20260603
libtpu: 0.0.44.dev20260713+nightly
codegen_flags: <defaults>
</compile_context>

<pallas_src>
import functools

import jax
import jax.numpy as jnp
from jax import lax
from jax.experimental import pallas as pl
from jax.experimental.pallas import tpu as pltpu
from jax.experimental.pallas import tpu_sc as plsc

ND = 128
ED = 16
OD = 128
N_NODES = 10000
N_EDGES = 320000

NC = 2
NS = 16
NW = NC * NS
EPW = N_EDGES // NW
CH = 80
NCHUNK = EPW // CH
NACC = N_NODES // CH

@functools.cache
def _sc_mesh():
    return plsc.VectorSubcoreMesh(
        core_axis_name="c", subcore_axis_name="s", num_cores=NC, num_subcores=NS
    )


def _proj_body(x_ref, ws_ref, wd_ref, ps_ref, pd_ref):
    xb = x_ref[...]
    ps_ref[...] = jnp.dot(xb, ws_ref[...], preferred_element_type=jnp.float32)
    pd_ref[...] = jnp.dot(xb, wd_ref[...], preferred_element_type=jnp.float32)


def _node_proj(x, w1s, w1d):
    bn = 2000
    return pl.pallas_call(
        _proj_body,
        grid=(N_NODES // bn,),
        in_specs=[
            pl.BlockSpec((bn, ND), lambda i: (i, 0)),
            pl.BlockSpec((ND, OD), lambda i: (0, 0)),
            pl.BlockSpec((ND, OD), lambda i: (0, 0)),
        ],
        out_specs=[
            pl.BlockSpec((bn, OD), lambda i: (i, 0)),
            pl.BlockSpec((bn, OD), lambda i: (i, 0)),
        ],
        out_shape=[
            jax.ShapeDtypeStruct((N_NODES, OD), jnp.float32),
            jax.ShapeDtypeStruct((N_NODES, OD), jnp.float32),
        ],
    )(x, w1s, w1d)


@functools.cache
def _build_gather_sum():
    return pl.kernel(
        _gather_sum_body,
        out_type=jax.ShapeDtypeStruct((N_EDGES, OD), jnp.float32),
        mesh=_sc_mesh(),
        scratch_types=[
            pltpu.VMEM((CH,), jnp.int32),
            pltpu.VMEM((CH,), jnp.int32),
            pltpu.VMEM((CH, OD), jnp.float32),
            pltpu.VMEM((CH, OD), jnp.float32),
            pltpu.SemaphoreType.DMA,
        ],
    )


def _gather_sum_body(s_hbm, d_hbm, ps_hbm, pd_hbm, g_hbm, sidx, didx, bufa, bufb, sem):
    wid = lax.axis_index("s") * NC + lax.axis_index("c")
    base = wid * EPW

    def chunk(ci, carry):
        off = base + ci * CH
        pltpu.sync_copy(s_hbm.at[pl.ds(off, CH)], sidx)
        pltpu.sync_copy(d_hbm.at[pl.ds(off, CH)], didx)
        ca = pltpu.async_copy(ps_hbm.at[sidx], bufa, sem)
        cb = pltpu.async_copy(pd_hbm.at[didx], bufb, sem)
        ca.wait()
        cb.wait()

        def row(i, c2):
            def col(j, c3):
                sl = pl.ds(j * 16, 16)
                bufa[i, sl] = bufa[i, sl] + bufb[i, sl]
                return c3
            return lax.fori_loop(0, OD // 16, col, c2, unroll=True)

        lax.fori_loop(0, CH, row, carry)
        pltpu.sync_copy(bufa, g_hbm.at[pl.ds(off, CH)])
        return carry

    lax.fori_loop(0, NCHUNK, chunk, 0)


def _msg_body(g_ref, ea_ref, w1e_ref, b1_ref, w2_ref, b2_ref, m_ref):
    pe = jnp.dot(ea_ref[...], w1e_ref[...], preferred_element_type=jnp.float32)
    h1 = jnp.maximum(g_ref[...] + pe + b1_ref[...], 0.0)
    m_ref[...] = (
        jnp.dot(h1, w2_ref[...], preferred_element_type=jnp.float32) + b2_ref[...]
    )


def _edge_mlp(g, ea, w1e, b1, w2, b2):
    be = 3200
    return pl.pallas_call(
        _msg_body,
        grid=(N_EDGES // be,),
        in_specs=[
            pl.BlockSpec((be, OD), lambda i: (i, 0)),
            pl.BlockSpec((be, ED), lambda i: (i, 0)),
            pl.BlockSpec((ED, OD), lambda i: (0, 0)),
            pl.BlockSpec((1, OD), lambda i: (0, 0)),
            pl.BlockSpec((OD, OD), lambda i: (0, 0)),
            pl.BlockSpec((1, OD), lambda i: (0, 0)),
        ],
        out_specs=pl.BlockSpec((be, OD), lambda i: (i, 0)),
        out_shape=jax.ShapeDtypeStruct((N_EDGES, OD), jnp.float32),
    )(g, ea, w1e, b1, w2, b2)


@functools.cache
def _build_scatter_add():
    return pl.kernel(
        _scatter_add_body,
        out_type=jax.ShapeDtypeStruct((NC, N_NODES, OD), jnp.float32),
        mesh=_sc_mesh(),
        scratch_types=[
            pltpu.VMEM((CH,), jnp.int32),
            pltpu.VMEM((CH, OD), jnp.float32),
            pltpu.VMEM((CH, OD), jnp.float32),
            pltpu.VMEM_SHARED((N_NODES, OD), jnp.float32),
            pltpu.SemaphoreType.DMA,
        ],
    )


def _scatter_add_body(d_hbm, m_hbm, out_hbm, idx, mbuf, zbuf, acc, sem):
    del sem
    cid = lax.axis_index("c")
    sid = lax.axis_index("s")
    wid = sid * NC + cid

    def zrow(i, c):
        def zcol(j, c2):
            zbuf[i, pl.ds(j * 16, 16)] = jnp.zeros((16,), jnp.float32)
            return c2
        return lax.fori_loop(0, OD // 16, zcol, c, unroll=True)

    lax.fori_loop(0, CH, zrow, 0)
    for j in range((NACC + NS - 1) // NS):
        c = sid + NS * j
        @pl.when(c < NACC)
        def _():
            pltpu.sync_copy(zbuf, acc.at[pl.ds(c * CH, CH)])
    plsc.subcore_barrier()

    base = wid * EPW

    def chunk(ci, c):
        off = base + ci * CH
        pltpu.sync_copy(d_hbm.at[pl.ds(off, CH)], idx)
        pltpu.sync_copy(m_hbm.at[pl.ds(off, CH)], mbuf)
        pltpu.sync_copy(mbuf, acc.at[idx], add=True)
        return c

    lax.fori_loop(0, NCHUNK, chunk, 0)
    plsc.subcore_barrier()

    for j in range((NACC + NS - 1) // NS):
        c = sid + NS * j
        @pl.when(c < NACC)
        def _():
            sl = pl.ds(c * CH, CH)
            pltpu.sync_copy(acc.at[sl], zbuf)
            pltpu.sync_copy(zbuf, out_hbm.at[cid, sl])


def _gru_body(a0_ref, a1_ref, x_ref, wih_ref, whh_ref, bih_ref, bhh_ref, o_ref):
    agg = a0_ref[0] + a1_ref[0]
    xb = x_ref[...]
    gi = jnp.dot(agg, wih_ref[...], preferred_element_type=jnp.float32) + bih_ref[...]
    gh = jnp.dot(xb, whh_ref[...], preferred_element_type=jnp.float32) + bhh_ref[...]
    r = jax.nn.sigmoid(gi[:, :ND] + gh[:, :ND])
    z = jax.nn.sigmoid(gi[:, ND:2 * ND] + gh[:, ND:2 * ND])
    n = jnp.tanh(gi[:, 2 * ND:] + r * gh[:, 2 * ND:])
    o_ref[...] = (1.0 - z) * n + z * xb


def _gru_update(acc, x, wih, whh, bih, bhh):
    bn = 2000
    return pl.pallas_call(
        _gru_body,
        grid=(N_NODES // bn,),
        in_specs=[
            pl.BlockSpec((1, bn, ND), lambda i: (0, i, 0)),
            pl.BlockSpec((1, bn, ND), lambda i: (1, i, 0)),
            pl.BlockSpec((bn, ND), lambda i: (i, 0)),
            pl.BlockSpec((ND, 3 * ND), lambda i: (0, 0)),
            pl.BlockSpec((ND, 3 * ND), lambda i: (0, 0)),
            pl.BlockSpec((1, 3 * ND), lambda i: (0, 0)),
            pl.BlockSpec((1, 3 * ND), lambda i: (0, 0)),
        ],
        out_specs=pl.BlockSpec((bn, ND), lambda i: (i, 0)),
        out_shape=jax.ShapeDtypeStruct((N_NODES, ND), jnp.float32),
    )(acc, acc, x, wih, whh, bih, bhh)


def kernel(x, ei, ea, W1, b1, W2, b2, Wih, Whh, bih, bhh):
    s = ei[0].astype(jnp.int32)
    d = ei[1].astype(jnp.int32)
    w1s = W1[:ND]
    w1d = W1[ND:2 * ND]
    w1e = W1[2 * ND:]

    ps, pd = _node_proj(x, w1s, w1d)
    g = _build_gather_sum()(s, d, ps, pd)
    m = _edge_mlp(g, ea, w1e, b1.reshape(1, OD), W2, b2.reshape(1, OD))
    acc = _build_scatter_add()(d, m)
    return _gru_update(acc, x, Wih, Whh, bih.reshape(1, 3 * ND),
                       bhh.reshape(1, 3 * ND))

# --- scband reference (transcript-rebuilt; emitter-appended) ---
"""Pipeline reference for scband-mpnnlayer-77953656422433 (READ-ONLY COPY).

The authoritative reference and input builder live on the scoring server;
editing this copy changes nothing except your own understanding.
"""

import jax, jax.numpy as jnp
import numpy as np

ND = 128
ED = 16
OD = 128
N_NODES = 10000
N_EDGES = 320000


def setup_inputs(seed: int = 0) -> dict:
    key = jax.random.key(seed)
    ks = jax.random.split(key, 12)
    x = jax.random.normal(ks[0], (N_NODES, ND), dtype=jnp.float32)
    ei = jax.random.randint(ks[1], (2, N_EDGES), 0, N_NODES, dtype=jnp.int64 if jax.config.jax_enable_x64 else jnp.int32)
    ea = jax.random.normal(ks[2], (N_EDGES, ED), dtype=jnp.float32)
    # message MLP params: Linear(2*nd+ed, od) -> ReLU -> Linear(od, od)
    in1 = 2 * ND + ED
    W1 = jax.random.normal(ks[3], (in1, OD), dtype=jnp.float32) * (1.0 / np.sqrt(in1))
    b1 = jnp.zeros((OD,), dtype=jnp.float32)
    W2 = jax.random.normal(ks[4], (OD, OD), dtype=jnp.float32) * (1.0 / np.sqrt(OD))
    b2 = jnp.zeros((OD,), dtype=jnp.float32)
    # GRUCell(input=od, hidden=nd) params, gate order (r, z, n) like PyTorch
    Wih = jax.random.normal(ks[5], (OD, 3 * ND), dtype=jnp.float32) * (1.0 / np.sqrt(ND))
    Whh = jax.random.normal(ks[6], (ND, 3 * ND), dtype=jnp.float32) * (1.0 / np.sqrt(ND))
    bih = jnp.zeros((3 * ND,), dtype=jnp.float32)
    bhh = jnp.zeros((3 * ND,), dtype=jnp.float32)
    return {"x": x, "ei": ei, "ea": ea, "W1": W1, "b1": b1, "W2": W2, "b2": b2,
            "Wih": Wih, "Whh": Whh, "bih": bih, "bhh": bhh}


def reference(x, ei, ea, W1, b1, W2, b2, Wih, Whh, bih, bhh):
    s = ei[0]
    d = ei[1]
    # message MLP
    cat = jnp.concatenate([x[s], x[d], ea], axis=-1)
    h1 = jax.nn.relu(cat @ W1 + b1)
    m = h1 @ W2 + b2
    # scatter-add aggregation over destination nodes
    agg = jnp.zeros((x.shape[0], m.shape[-1]), dtype=m.dtype).at[d].add(m)
    # GRUCell update: input=agg, hidden=x
    gi = agg @ Wih + bih
    gh = x @ Whh + bhh
    ir, iz, inn = jnp.split(gi, 3, axis=-1)
    hr, hz, hn = jnp.split(gh, 3, axis=-1)
    r = jax.nn.sigmoid(ir + hr)
    z = jax.nn.sigmoid(iz + hz)
    n = jnp.tanh(inn + r * hn)
    h_new = (1.0 - z) * n + z * x
    return h_new

if __name__ == "__main__":
    import jax
    _d = setup_inputs()
    print(jax.jit(kernel)(*tuple(_d.values())))

</pallas_src>

<mosaic_0001>
#map = affine_map<(d0, d1) -> (0)>
#map1 = affine_map<(d0, d1) -> (0, 0)>
#map2 = affine_map<(d0, d1) -> (0, 0, 0)>
module attributes {stable_mosaic.version = 14 : i64} {
  func.func @_scatter_add_body(%arg0: i32, %arg1: i32, %arg2: memref<320000xi32, #tpu.memory_space<hbm>>, %arg3: memref<320000x128xf32, #tpu.memory_space<hbm>>, %arg4: memref<2x10000x128xf32, #tpu.memory_space<hbm>>, %arg5: memref<80xi32, #tpu.memory_space<vmem>>, %arg6: memref<80x128xf32, #tpu.memory_space<vmem>>, %arg7: memref<80x128xf32, #tpu.memory_space<vmem>>, %arg8: memref<10000x128xf32, #tpu.memory_space<vmem_shared>>, %arg9: memref<!tpu.dma_semaphore, #tpu.memory_space<semaphore_mem>>) attributes {dimension_semantics = [#tpu.dimension_semantics<core_parallel>, #tpu.dimension_semantics<subcore_parallel>], iteration_bounds = array<i64: 2, 16>, scalar_prefetch = 0 : i64, scratch_operands = 5 : i64, tpu.core_type = #tpu.core_type<sc_vector_subcore>, window_params = [{transform_indices = #map}, {transform_indices = #map1}, {transform_indices = #map2}]} {
    %mul3A = arith.constant 2 : i32
    %mul3A_0 = arith.muli %arg1, %mul3A : i32
    %add3A = arith.addi %mul3A_0, %arg0 : i32
    %scan3A = arith.constant 0 : i32
    %scan3A_1 = arith.constant 0 : i32
    %scan3A_2 = arith.constant 80 : i32
    %scan3A_3 = arith.addi %scan3A_1, %scan3A_2 : i32
    %scan3A_4 = arith.constant 1 : i32
    scf.for %scan3A_124 = %scan3A_1 to %scan3A_3 step %scan3A_4  : i32 {
      %scan3A_125 = arith.constant 0 : i32
      %broadcast_in_dim3A = arith.constant 0.000000e+00 : f32
      %broadcast_in_dim3A_126 = vector.broadcast %broadcast_in_dim3A : f32 to vector<16xf32>
      %mul3A_127 = arith.constant 16 : i32
      %mul3A_128 = arith.muli %scan3A_125, %mul3A_127 : i32
      %swap3A = arith.index_cast %scan3A_124 : i32 to index
      %swap3A_129 = arith.index_cast %mul3A_128 : i32 to index
      %swap3A_130 = tpu.vector_load %arg7[%swap3A, %swap3A_129] {strides = array<i32>} : memref<80x128xf32, #tpu.memory_space<vmem>>, vector<1x16xf32>,
      %swap3A_131 = vector.shape_cast %swap3A_130 : vector<1x16xf32> to vector<16xf32>
      %swap3A_132 = vector.shape_cast %broadcast_in_dim3A_126 : vector<16xf32> to vector<1x16xf32>
      tpu.vector_store %arg7[%swap3A, %swap3A_129], %swap3A_132 {strides = array<i32>} : memref<80x128xf32, #tpu.memory_space<vmem>>, vector<1x16xf32>,
      %scan3A_133 = arith.constant 1 : i32
      %broadcast_in_dim3A_134 = arith.constant 0.000000e+00 : f32
      %broadcast_in_dim3A_135 = vector.broadcast %broadcast_in_dim3A_134 : f32 to vector<16xf32>
      %mul3A_136 = arith.constant 16 : i32
      %mul3A_137 = arith.muli %scan3A_133, %mul3A_136 : i32
      %swap3A_138 = arith.index_cast %scan3A_124 : i32 to index
      %swap3A_139 = arith.index_cast %mul3A_137 : i32 to index
      %swap3A_140 = tpu.vector_load %arg7[%swap3A_138, %swap3A_139] {strides = array<i32>} : memref<80x128xf32, #tpu.memory_space<vmem>>, vector<1x16xf32>,
      %swap3A_141 = vector.shape_cast %swap3A_140 : vector<1x16xf32> to vector<16xf32>
      %swap3A_142 = vector.shape_cast %broadcast_in_dim3A_135 : vector<16xf32> to vector<1x16xf32>
      tpu.vector_store %arg7[%swap3A_138, %swap3A_139], %swap3A_142 {strides = array<i32>} : memref<80x128xf32, #tpu.memory_space<vmem>>, vector<1x16xf32>,
      %scan3A_143 = arith.constant 2 : i32
      %broadcast_in_dim3A_144 = arith.constant 0.000000e+00 : f32
      %broadcast_in_dim3A_145 = vector.broadcast %broadcast_in_dim3A_144 : f32 to vector<16xf32>
      %mul3A_146 = arith.constant 16 : i32
      %mul3A_147 = arith.muli %scan3A_143, %mul3A_146 : i32
      %swap3A_148 = arith.index_cast %scan3A_124 : i32 to index
      %swap3A_149 = arith.index_cast %mul3A_147 : i32 to index
      %swap3A_150 = tpu.vector_load %arg7[%swap3A_148, %swap3A_149] {strides = array<i32>} : memref<80x128xf32, #tpu.memory_space<vmem>>, vector<1x16xf32>,
      %swap3A_151 = vector.shape_cast %swap3A_150 : vector<1x16xf32> to vector<16xf32>
      %swap3A_152 = vector.shape_cast %broadcast_in_dim3A_145 : vector<16xf32> to vector<1x16xf32>
      tpu.vector_store %arg7[%swap3A_148, %swap3A_149], %swap3A_152 {strides = array<i32>} : memref<80x128xf32, #tpu.memory_space<vmem>>, vector<1x16xf32>,
      %scan3A_153 = arith.constant 3 : i32
      %broadcast_in_dim3A_154 = arith.constant 0.000000e+00 : f32
      %broadcast_in_dim3A_155 = vector.broadcast %broadcast_in_dim3A_154 : f32 to vector<16xf32>
      %mul3A_156 = arith.constant 16 : i32
      %mul3A_157 = arith.muli %scan3A_153, %mul3A_156 : i32
      %swap3A_158 = arith.index_cast %scan3A_124 : i32 to index
      %swap3A_159 = arith.index_cast %mul3A_157 : i32 to index
      %swap3A_160 = tpu.vector_load %arg7[%swap3A_158, %swap3A_159] {strides = array<i32>} : memref<80x128xf32, #tpu.memory_space<vmem>>, vector<1x16xf32>,
      %swap3A_161 = vector.shape_cast %swap3A_160 : vector<1x16xf32> to vector<16xf32>
      %swap3A_162 = vector.shape_cast %broadcast_in_dim3A_155 : vector<16xf32> to vector<1x16xf32>
      tpu.vector_store %arg7[%swap3A_158, %swap3A_159], %swap3A_162 {strides = array<i32>} : memref<80x128xf32, #tpu.memory_space<vmem>>, vector<1x16xf32>,
      %scan3A_163 = arith.constant 4 : i32
      %broadcast_in_dim3A_164 = arith.constant 0.000000e+00 : f32
      %broadcast_in_dim3A_165 = vector.broadcast %broadcast_in_dim3A_164 : f32 to vector<16xf32>
      %mul3A_166 = arith.constant 16 : i32
      %mul3A_167 = arith.muli %scan3A_163, %mul3A_166 : i32
      %swap3A_168 = arith.index_cast %scan3A_124 : i32 to index
      %swap3A_169 = arith.index_cast %mul3A_167 : i32 to index
      %swap3A_170 = tpu.vector_load %arg7[%swap3A_168, %swap3A_169] {strides = array<i32>} : memref<80x128xf32, #tpu.memory_space<vmem>>, vector<1x16xf32>,
      %swap3A_171 = vector.shape_cast %swap3A_170 : vector<1x16xf32> to vector<16xf32>
      %swap3A_172 = vector.shape_cast %broadcast_in_dim3A_165 : vector<16xf32> to vector<1x16xf32>
      tpu.vector_store %arg7[%swap3A_168, %swap3A_169], %swap3A_172 {strides = array<i32>} : memref<80x128xf32, #tpu.memory_space<vmem>>, vector<1x16xf32>,
      %scan3A_173 = arith.constant 5 : i32
      %broadcast_in_dim3A_174 = arith.constant 0.000000e+00 : f32
      %broadcast_in_dim3A_175 = vector.broadcast %broadcast_in_dim3A_174 : f32 to vector<16xf32>
      %mul3A_176 = arith.constant 16 : i32
      %mul3A_177 = arith.muli %scan3A_173, %mul3A_176 : i32
      %swap3A_178 = arith.index_cast %scan3A_124 : i32 to index
      %swap3A_179 = arith.index_cast %mul3A_177 : i32 to index
      %swap3A_180 = tpu.vector_load %arg7[%swap3A_178, %swap3A_179] {strides = array<i32>} : memref<80x128xf32, #tpu.memory_space<vmem>>, vector<1x16xf32>,
      %swap3A_181 = vector.shape_cast %swap3A_180 : vector<1x16xf32> to vector<16xf32>
      %swap3A_182 = vector.shape_cast %broadcast_in_dim3A_175 : vector<16xf32> to vector<1x16xf32>
      tpu.vector_store %arg7[%swap3A_178, %swap3A_179], %swap3A_182 {strides = array<i32>} : memref<80x128xf32, #tpu.memory_space<vmem>>, vector<1x16xf32>,
      %scan3A_183 = arith.constant 6 : i32
      %broadcast_in_dim3A_184 = arith.constant 0.000000e+00 : f32
      %broadcast_in_dim3A_185 = vector.broadcast %broadcast_in_dim3A_184 : f32 to vector<16xf32>
      %mul3A_186 = arith.constant 16 : i32
      %mul3A_187 = arith.muli %scan3A_183, %mul3A_186 : i32
      %swap3A_188 = arith.index_cast %scan3A_124 : i32 to index
      %swap3A_189 = arith.index_cast %mul3A_187 : i32 to index
      %swap3A_190 = tpu.vector_load %arg7[%swap3A_188, %swap3A_189] {strides = array<i32>} : memref<80x128xf32, #tpu.memory_space<vmem>>, vector<1x16xf32>,
      %swap3A_191 = vector.shape_cast %swap3A_190 : vector<1x16xf32> to vector<16xf32>
      %swap3A_192 = vector.shape_cast %broadcast_in_dim3A_185 : vector<16xf32> to vector<1x16xf32>
      tpu.vector_store %arg7[%swap3A_188, %swap3A_189], %swap3A_192 {strides = array<i32>} : memref<80x128xf32, #tpu.memory_space<vmem>>, vector<1x16xf32>,
      %scan3A_193 = arith.constant 7 : i32
      %broadcast_in_dim3A_194 = arith.constant 0.000000e+00 : f32
      %broadcast_in_dim3A_195 = vector.broadcast %broadcast_in_dim3A_194 : f32 to vector<16xf32>
      %mul3A_196 = arith.constant 16 : i32
      %mul3A_197 = arith.muli %scan3A_193, %mul3A_196 : i32
      %swap3A_198 = arith.index_cast %scan3A_124 : i32 to index
      %swap3A_199 = arith.index_cast %mul3A_197 : i32 to index
      %swap3A_200 = tpu.vector_load %arg7[%swap3A_198, %swap3A_199] {strides = array<i32>} : memref<80x128xf32, #tpu.memory_space<vmem>>, vector<1x16xf32>,
      %swap3A_201 = vector.shape_cast %swap3A_200 : vector<1x16xf32> to vector<16xf32>
      %swap3A_202 = vector.shape_cast %broadcast_in_dim3A_195 : vector<16xf32> to vector<1x16xf32>
      tpu.vector_store %arg7[%swap3A_198, %swap3A_199], %swap3A_202 {strides = array<i32>} : memref<80x128xf32, #tpu.memory_space<vmem>>, vector<1x16xf32>,
      %scan3A_203 = arith.constant 8 : i32
    }
    %scan3A_5 = arith.constant 80 : i32
    %add3A_6 = arith.constant 0 : i32
    %add3A_7 = arith.addi %arg1, %add3A_6 : i32
    %lt3A = arith.constant 125 : i32
    %lt3A_8 = arith.cmpi slt, %add3A_7, %lt3A : i32
    %convert_element_type3A = arith.extui %lt3A_8 : i1 to i32
    %cond3A = arith.constant 0 : i32
    %cond3A_9 = arith.cmpi ne, %convert_element_type3A, %cond3A : i32
    scf.if %cond3A_9 {
      %mul3A_124 = arith.constant 80 : i32
      %mul3A_125 = arith.muli %add3A_7, %mul3A_124 : i32
      "tpu.region"() ({
        %run_scoped3A = tpu.sem_alloc : memref<!tpu.dma_semaphore, #tpu.memory_space<semaphore_mem>>
        %dma_start3A = arith.constant 0 : i32
        %dma_start3A_126 = tpu.memref_slice %arg8[%mul3A_125, %dma_start3A] : memref<10000x128xf32, #tpu.memory_space<vmem_shared>> -> memref<80x128xf32, #tpu.memory_space<vmem_shared>>
        %dma_start3A_127 = arith.constant 0 : i32
        %dma_start3A_128 = tpu.memref_slice %arg8[%mul3A_125, %dma_start3A_127] : memref<10000x128xf32, #tpu.memory_space<vmem_shared>> -> memref<80x128xf32, #tpu.memory_space<vmem_shared>>
        tpu.enqueue_dma source(%arg7 : memref<80x128xf32, #tpu.memory_space<vmem>>) target(%dma_start3A_128 : memref<80x128xf32, #tpu.memory_space<vmem_shared>>) target_semaphore(%run_scoped3A : memref<!tpu.dma_semaphore, #tpu.memory_space<semaphore_mem>>)
        %dma_wait3A = arith.constant 0 : i32
        %dma_wait3A_129 = tpu.memref_slice %arg8[%mul3A_125, %dma_wait3A] : memref<10000x128xf32, #tpu.memory_space<vmem_shared>> -> memref<80x128xf32, #tpu.memory_space<vmem_shared>>
        %dma_wait3A_130 = arith.constant 0 : i32
        %dma_wait3A_131 = tpu.memref_slice %arg8[%mul3A_125, %dma_wait3A_130] : memref<10000x128xf32, #tpu.memory_space<vmem_shared>> -> memref<80x128xf32, #tpu.memory_space<vmem_shared>>
        tpu.wait_dma2 semaphore(%run_scoped3A : memref<!tpu.dma_semaphore, #tpu.memory_space<semaphore_mem>>) src(%arg7 : memref<80x128xf32, #tpu.memory_space<vmem>>) dst(%dma_wait3A_131 : memref<80x128xf32, #tpu.memory_space<vmem_shared>>)
        tpu.yield
      }) : () -> ()
    } else {
    }
    %add3A_10 = arith.constant 16 : i32
    %add3A_11 = arith.addi %arg1, %add3A_10 : i32
    %lt3A_12 = arith.constant 125 : i32
    %lt3A_13 = arith.cmpi slt, %add3A_11, %lt3A_12 : i32
    %convert_element_type3A_14 = arith.extui %lt3A_13 : i1 to i32
    %cond3A_15 = arith.constant 0 : i32
    %cond3A_16 = arith.cmpi ne, %convert_element_type3A_14, %cond3A_15 : i32
    scf.if %cond3A_16 {
      %mul3A_124 = arith.constant 80 : i32
      %mul3A_125 = arith.muli %add3A_11, %mul3A_124 : i32
      "tpu.region"() ({
        %run_scoped3A = tpu.sem_alloc : memref<!tpu.dma_semaphore, #tpu.memory_space<semaphore_mem>>
        %dma_start3A = arith.constant 0 : i32
        %dma_start3A_126 = tpu.memref_slice %arg8[%mul3A_125, %dma_start3A] : memref<10000x128xf32, #tpu.memory_space<vmem_shared>> -> memref<80x128xf32, #tpu.memory_space<vmem_shared>>
        %dma_start3A_127 = arith.constant 0 : i32
        %dma_start3A_128 = tpu.memref_slice %arg8[%mul3A_125, %dma_start3A_127] : memref<10000x128xf32, #tpu.memory_space<vmem_shared>> -> memref<80x128xf32, #tpu.memory_space<vmem_shared>>
        tpu.enqueue_dma source(%arg7 : memref<80x128xf32, #tpu.memory_space<vmem>>) target(%dma_start3A_128 : memref<80x128xf32, #tpu.memory_space<vmem_shared>>) target_semaphore(%run_scoped3A : memref<!tpu.dma_semaphore, #tpu.memory_space<semaphore_mem>>)
        %dma_wait3A = arith.constant 0 : i32
        %dma_wait3A_129 = tpu.memref_slice %arg8[%mul3A_125, %dma_wait3A] : memref<10000x128xf32, #tpu.memory_space<vmem_shared>> -> memref<80x128xf32, #tpu.memory_space<vmem_shared>>
        %dma_wait3A_130 = arith.constant 0 : i32
        %dma_wait3A_131 = tpu.memref_slice %arg8[%mul3A_125, %dma_wait3A_130] : memref<10000x128xf32, #tpu.memory_space<vmem_shared>> -> memref<80x128xf32, #tpu.memory_space<vmem_shared>>
        tpu.wait_dma2 semaphore(%run_scoped3A : memref<!tpu.dma_semaphore, #tpu.memory_space<semaphore_mem>>) src(%arg7 : memref<80x128xf32, #tpu.memory_space<vmem>>) dst(%dma_wait3A_131 : memref<80x128xf32, #tpu.memory_space<vmem_shared>>)
        tpu.yield
      }) : () -> ()
    } else {
    }
    %add3A_17 = arith.constant 32 : i32
    %add3A_18 = arith.addi %arg1, %add3A_17 : i32
    %lt3A_19 = arith.constant 125 : i32
    %lt3A_20 = arith.cmpi slt, %add3A_18, %lt3A_19 : i32
    %convert_element_type3A_21 = arith.extui %lt3A_20 : i1 to i32
    %cond3A_22 = arith.constant 0 : i32
    %cond3A_23 = arith.cmpi ne, %convert_element_type3A_21, %cond3A_22 : i32
    scf.if %cond3A_23 {
      %mul3A_124 = arith.constant 80 : i32
      %mul3A_125 = arith.muli %add3A_18, %mul3A_124 : i32
      "tpu.region"() ({
        %run_scoped3A = tpu.sem_alloc : memref<!tpu.dma_semaphore, #tpu.memory_space<semaphore_mem>>
        %dma_start3A = arith.constant 0 : i32
        %dma_start3A_126 = tpu.memref_slice %arg8[%mul3A_125, %dma_start3A] : memref<10000x128xf32, #tpu.memory_space<vmem_shared>> -> memref<80x128xf32, #tpu.memory_space<vmem_shared>>
        %dma_start3A_127 = arith.constant 0 : i32
        %dma_start3A_128 = tpu.memref_slice %arg8[%mul3A_125, %dma_start3A_127] : memref<10000x128xf32, #tpu.memory_space<vmem_shared>> -> memref<80x128xf32, #tpu.memory_space<vmem_shared>>
        tpu.enqueue_dma source(%arg7 : memref<80x128xf32, #tpu.memory_space<vmem>>) target(%dma_start3A_128 : memref<80x128xf32, #tpu.memory_space<vmem_shared>>) target_semaphore(%run_scoped3A : memref<!tpu.dma_semaphore, #tpu.memory_space<semaphore_mem>>)
        %dma_wait3A = arith.constant 0 : i32
        %dma_wait3A_129 = tpu.memref_slice %arg8[%mul3A_125, %dma_wait3A] : memref<10000x128xf32, #tpu.memory_space<vmem_shared>> -> memref<80x128xf32, #tpu.memory_space<vmem_shared>>
        %dma_wait3A_130 = arith.constant 0 : i32
        %dma_wait3A_131 = tpu.memref_slice %arg8[%mul3A_125, %dma_wait3A_130] : memref<10000x128xf32, #tpu.memory_space<vmem_shared>> -> memref<80x128xf32, #tpu.memory_space<vmem_shared>>
        tpu.wait_dma2 semaphore(%run_scoped3A : memref<!tpu.dma_semaphore, #tpu.memory_space<semaphore_mem>>) src(%arg7 : memref<80x128xf32, #tpu.memory_space<vmem>>) dst(%dma_wait3A_131 : memref<80x128xf32, #tpu.memory_space<vmem_shared>>)
        tpu.yield
      }) : () -> ()
    } else {
    }
    %add3A_24 = arith.constant 48 : i32
    %add3A_25 = arith.addi %arg1, %add3A_24 : i32
    %lt3A_26 = arith.constant 125 : i32
    %lt3A_27 = arith.cmpi slt, %add3A_25, %lt3A_26 : i32
    %convert_element_type3A_28 = arith.extui %lt3A_27 : i1 to i32
    %cond3A_29 = arith.constant 0 : i32
    %cond3A_30 = arith.cmpi ne, %convert_element_type3A_28, %cond3A_29 : i32
    scf.if %cond3A_30 {
      %mul3A_124 = arith.constant 80 : i32
      %mul3A_125 = arith.muli %add3A_25, %mul3A_124 : i32
      "tpu.region"() ({
        %run_scoped3A = tpu.sem_alloc : memref<!tpu.dma_semaphore, #tpu.memory_space<semaphore_mem>>
        %dma_start3A = arith.constant 0 : i32
        %dma_start3A_126 = tpu.memref_slice %arg8[%mul3A_125, %dma_start3A] : memref<10000x128xf32, #tpu.memory_space<vmem_shared>> -> memref<80x128xf32, #tpu.memory_space<vmem_shared>>
        %dma_start3A_127 = arith.constant 0 : i32
        %dma_start3A_128 = tpu.memref_slice %arg8[%mul3A_125, %dma_start3A_127] : memref<10000x128xf32, #tpu.memory_space<vmem_shared>> -> memref<80x128xf32, #tpu.memory_space<vmem_shared>>
        tpu.enqueue_dma source(%arg7 : memref<80x128xf32, #tpu.memory_space<vmem>>) target(%dma_start3A_128 : memref<80x128xf32, #tpu.memory_space<vmem_shared>>) target_semaphore(%run_scoped3A : memref<!tpu.dma_semaphore, #tpu.memory_space<semaphore_mem>>)
        %dma_wait3A = arith.constant 0 : i32
        %dma_wait3A_129 = tpu.memref_slice %arg8[%mul3A_125, %dma_wait3A] : memref<10000x128xf32, #tpu.memory_space<vmem_shared>> -> memref<80x128xf32, #tpu.memory_space<vmem_shared>>
        %dma_wait3A_130 = arith.constant 0 : i32
        %dma_wait3A_131 = tpu.memref_slice %arg8[%mul3A_125, %dma_wait3A_130] : memref<10000x128xf32, #tpu.memory_space<vmem_shared>> -> memref<80x128xf32, #tpu.memory_space<vmem_shared>>
        tpu.wait_dma2 semaphore(%run_scoped3A : memref<!tpu.dma_semaphore, #tpu.memory_space<semaphore_mem>>) src(%arg7 : memref<80x128xf32, #tpu.memory_space<vmem>>) dst(%dma_wait3A_131 : memref<80x128xf32, #tpu.memory_space<vmem_shared>>)
        tpu.yield
      }) : () -> ()
    } else {
    }
    %add3A_31 = arith.constant 64 : i32
    %add3A_32 = arith.addi %arg1, %add3A_31 : i32
    %lt3A_33 = arith.constant 125 : i32
    %lt3A_34 = arith.cmpi slt, %add3A_32, %lt3A_33 : i32
    %convert_element_type3A_35 = arith.extui %lt3A_34 : i1 to i32
    %cond3A_36 = arith.constant 0 : i32
    %cond3A_37 = arith.cmpi ne, %convert_element_type3A_35, %cond3A_36 : i32
    scf.if %cond3A_37 {
      %mul3A_124 = arith.constant 80 : i32
      %mul3A_125 = arith.muli %add3A_32, %mul3A_124 : i32
      "tpu.region"() ({
        %run_scoped3A = tpu.sem_alloc : memref<!tpu.dma_semaphore, #tpu.memory_space<semaphore_mem>>
        %dma_start3A = arith.constant 0 : i32
        %dma_start3A_126 = tpu.memref_slice %arg8[%mul3A_125, %dma_start3A] : memref<10000x128xf32, #tpu.memory_space<vmem_shared>> -> memref<80x128xf32, #tpu.memory_space<vmem_shared>>
        %dma_start3A_127 = arith.constant 0 : i32
        %dma_start3A_128 = tpu.memref_slice %arg8[%mul3A_125, %dma_start3A_127] : memref<10000x128xf32, #tpu.memory_space<vmem_shared>> -> memref<80x128xf32, #tpu.memory_space<vmem_shared>>
        tpu.enqueue_dma source(%arg7 : memref<80x128xf32, #tpu.memory_space<vmem>>) target(%dma_start3A_128 : memref<80x128xf32, #tpu.memory_space<vmem_shared>>) target_semaphore(%run_scoped3A : memref<!tpu.dma_semaphore, #tpu.memory_space<semaphore_mem>>)
        %dma_wait3A = arith.constant 0 : i32
        %dma_wait3A_129 = tpu.memref_slice %arg8[%mul3A_125, %dma_wait3A] : memref<10000x128xf32, #tpu.memory_space<vmem_shared>> -> memref<80x128xf32, #tpu.memory_space<vmem_shared>>
        %dma_wait3A_130 = arith.constant 0 : i32
        %dma_wait3A_131 = tpu.memref_slice %arg8[%mul3A_125, %dma_wait3A_130] : memref<10000x128xf32, #tpu.memory_space<vmem_shared>> -> memref<80x128xf32, #tpu.memory_space<vmem_shared>>
        tpu.wait_dma2 semaphore(%run_scoped3A : memref<!tpu.dma_semaphore, #tpu.memory_space<semaphore_mem>>) src(%arg7 : memref<80x128xf32, #tpu.memory_space<vmem>>) dst(%dma_wait3A_131 : memref<80x128xf32, #tpu.memory_space<vmem_shared>>)
        tpu.yield
      }) : () -> ()
    } else {
    }
    %add3A_38 = arith.constant 80 : i32
    %add3A_39 = arith.addi %arg1, %add3A_38 : i32
    %lt3A_40 = arith.constant 125 : i32
    %lt3A_41 = arith.cmpi slt, %add3A_39, %lt3A_40 : i32
    %convert_element_type3A_42 = arith.extui %lt3A_41 : i1 to i32
    %cond3A_43 = arith.constant 0 : i32
    %cond3A_44 = arith.cmpi ne, %convert_element_type3A_42, %cond3A_43 : i32
    scf.if %cond3A_44 {
      %mul3A_124 = arith.constant 80 : i32
      %mul3A_125 = arith.muli %add3A_39, %mul3A_124 : i32
      "tpu.region"() ({
        %run_scoped3A = tpu.sem_alloc : memref<!tpu.dma_semaphore, #tpu.memory_space<semaphore_mem>>
        %dma_start3A = arith.constant 0 : i32
        %dma_start3A_126 = tpu.memref_slice %arg8[%mul3A_125, %dma_start3A] : memref<10000x128xf32, #tpu.memory_space<vmem_shared>> -> memref<80x128xf32, #tpu.memory_space<vmem_shared>>
        %dma_start3A_127 = arith.constant 0 : i32
        %dma_start3A_128 = tpu.memref_slice %arg8[%mul3A_125, %dma_start3A_127] : memref<10000x128xf32, #tpu.memory_space<vmem_shared>> -> memref<80x128xf32, #tpu.memory_space<vmem_shared>>
        tpu.enqueue_dma source(%arg7 : memref<80x128xf32, #tpu.memory_space<vmem>>) target(%dma_start3A_128 : memref<80x128xf32, #tpu.memory_space<vmem_shared>>) target_semaphore(%run_scoped3A : memref<!tpu.dma_semaphore, #tpu.memory_space<semaphore_mem>>)
        %dma_wait3A = arith.constant 0 : i32
        %dma_wait3A_129 = tpu.memref_slice %arg8[%mul3A_125, %dma_wait3A] : memref<10000x128xf32, #tpu.memory_space<vmem_shared>> -> memref<80x128xf32, #tpu.memory_space<vmem_shared>>
        %dma_wait3A_130 = arith.constant 0 : i32
        %dma_wait3A_131 = tpu.memref_slice %arg8[%mul3A_125, %dma_wait3A_130] : memref<10000x128xf32, #tpu.memory_space<vmem_shared>> -> memref<80x128xf32, #tpu.memory_space<vmem_shared>>
        tpu.wait_dma2 semaphore(%run_scoped3A : memref<!tpu.dma_semaphore, #tpu.memory_space<semaphore_mem>>) src(%arg7 : memref<80x128xf32, #tpu.memory_space<vmem>>) dst(%dma_wait3A_131 : memref<80x128xf32, #tpu.memory_space<vmem_shared>>)
        tpu.yield
      }) : () -> ()
    } else {
    }
    %add3A_45 = arith.constant 96 : i32
    %add3A_46 = arith.addi %arg1, %add3A_45 : i32
    %lt3A_47 = arith.constant 125 : i32
    %lt3A_48 = arith.cmpi slt, %add3A_46, %lt3A_47 : i32
    %convert_element_type3A_49 = arith.extui %lt3A_48 : i1 to i32
    %cond3A_50 = arith.constant 0 : i32
    %cond3A_51 = arith.cmpi ne, %convert_element_type3A_49, %cond3A_50 : i32
    scf.if %cond3A_51 {
      %mul3A_124 = arith.constant 80 : i32
      %mul3A_125 = arith.muli %add3A_46, %mul3A_124 : i32
      "tpu.region"() ({
        %run_scoped3A = tpu.sem_alloc : memref<!tpu.dma_semaphore, #tpu.memory_space<semaphore_mem>>
        %dma_start3A = arith.constant 0 : i32
        %dma_start3A_126 = tpu.memref_slice %arg8[%mul3A_125, %dma_start3A] : memref<10000x128xf32, #tpu.memory_space<vmem_shared>> -> memref<80x128xf32, #tpu.memory_space<vmem_shared>>
        %dma_start3A_127 = arith.constant 0 : i32
        %dma_start3A_128 = tpu.memref_slice %arg8[%mul3A_125, %dma_start3A_127] : memref<10000x128xf32, #tpu.memory_space<vmem_shared>> -> memref<80x128xf32, #tpu.memory_space<vmem_shared>>
        tpu.enqueue_dma source(%arg7 : memref<80x128xf32, #tpu.memory_space<vmem>>) target(%dma_start3A_128 : memref<80x128xf32, #tpu.memory_space<vmem_shared>>) target_semaphore(%run_scoped3A : memref<!tpu.dma_semaphore, #tpu.memory_space<semaphore_mem>>)
        %dma_wait3A = arith.constant 0 : i32
        %dma_wait3A_129 = tpu.memref_slice %arg8[%mul3A_125, %dma_wait3A] : memref<10000x128xf32, #tpu.memory_space<vmem_shared>> -> memref<80x128xf32, #tpu.memory_space<vmem_shared>>
        %dma_wait3A_130 = arith.constant 0 : i32
        %dma_wait3A_131 = tpu.memref_slice %arg8[%mul3A_125, %dma_wait3A_130] : memref<10000x128xf32, #tpu.memory_space<vmem_shared>> -> memref<80x128xf32, #tpu.memory_space<vmem_shared>>
        tpu.wait_dma2 semaphore(%run_scoped3A : memref<!tpu.dma_semaphore, #tpu.memory_space<semaphore_mem>>) src(%arg7 : memref<80x128xf32, #tpu.memory_space<vmem>>) dst(%dma_wait3A_131 : memref<80x128xf32, #tpu.memory_space<vmem_shared>>)
        tpu.yield
      }) : () -> ()
    } else {
    }
    %add3A_52 = arith.constant 112 : i32
    %add3A_53 = arith.addi %arg1, %add3A_52 : i32
    %lt3A_54 = arith.constant 125 : i32
    %lt3A_55 = arith.cmpi slt, %add3A_53, %lt3A_54 : i32
    %convert_element_type3A_56 = arith.extui %lt3A_55 : i1 to i32
    %cond3A_57 = arith.constant 0 : i32
    %cond3A_58 = arith.cmpi ne, %convert_element_type3A_56, %cond3A_57 : i32
    scf.if %cond3A_58 {
      %mul3A_124 = arith.constant 80 : i32
      %mul3A_125 = arith.muli %add3A_53, %mul3A_124 : i32
      "tpu.region"() ({
        %run_scoped3A = tpu.sem_alloc : memref<!tpu.dma_semaphore, #tpu.memory_space<semaphore_mem>>
        %dma_start3A = arith.constant 0 : i32
        %dma_start3A_126 = tpu.memref_slice %arg8[%mul3A_125, %dma_start3A] : memref<10000x128xf32, #tpu.memory_space<vmem_shared>> -> memref<80x128xf32, #tpu.memory_space<vmem_shared>>
        %dma_start3A_127 = arith.constant 0 : i32
        %dma_start3A_128 = tpu.memref_slice %arg8[%mul3A_125, %dma_start3A_127] : memref<10000x128xf32, #tpu.memory_space<vmem_shared>> -> memref<80x128xf32, #tpu.memory_space<vmem_shared>>
        tpu.enqueue_dma source(%arg7 : memref<80x128xf32, #tpu.memory_space<vmem>>) target(%dma_start3A_128 : memref<80x128xf32, #tpu.memory_space<vmem_shared>>) target_semaphore(%run_scoped3A : memref<!tpu.dma_semaphore, #tpu.memory_space<semaphore_mem>>)
        %dma_wait3A = arith.constant 0 : i32
        %dma_wait3A_129 = tpu.memref_slice %arg8[%mul3A_125, %dma_wait3A] : memref<10000x128xf32, #tpu.memory_space<vmem_shared>> -> memref<80x128xf32, #tpu.memory_space<vmem_shared>>
        %dma_wait3A_130 = arith.constant 0 : i32
        %dma_wait3A_131 = tpu.memref_slice %arg8[%mul3A_125, %dma_wait3A_130] : memref<10000x128xf32, #tpu.memory_space<vmem_shared>> -> memref<80x128xf32, #tpu.memory_space<vmem_shared>>
        tpu.wait_dma2 semaphore(%run_scoped3A : memref<!tpu.dma_semaphore, #tpu.memory_space<semaphore_mem>>) src(%arg7 : memref<80x128xf32, #tpu.memory_space<vmem>>) dst(%dma_wait3A_131 : memref<80x128xf32, #tpu.memory_space<vmem_shared>>)
        tpu.yield
      }) : () -> ()
    } else {
    }
    %barrier3A = arith.constant 0 : index
    tpu.barrier barrier_id(%barrier3A)
    %mul3A_59 = arith.constant 10000 : i32
    %mul3A_60 = arith.muli %add3A, %mul3A_59 : i32
    %scan3A_61 = arith.constant 0 : i32
    %scan3A_62 = arith.constant 0 : i32
    %scan3A_63 = arith.constant 125 : i32
    %scan3A_64 = arith.addi %scan3A_62, %scan3A_63 : i32
    %scan3A_65 = arith.constant 1 : i32
    scf.for %scan3A_124 = %scan3A_62 to %scan3A_64 step %scan3A_65  : i32 {
      %mul3A_125 = arith.constant 80 : i32
      %mul3A_126 = arith.muli %scan3A_124, %mul3A_125 : i32
      %add3A_127 = arith.addi %mul3A_60, %mul3A_126 : i32
      "tpu.region"() ({
        %run_scoped3A = tpu.sem_alloc : memref<!tpu.dma_semaphore, #tpu.memory_space<semaphore_mem>>
        %dma_start3A = tpu.memref_slice %arg2[%add3A_127] : memref<320000xi32, #tpu.memory_space<hbm>> -> memref<80xi32, #tpu.memory_space<hbm>>
        %dma_start3A_128 = tpu.memref_slice %arg2[%add3A_127] : memref<320000xi32, #tpu.memory_space<hbm>> -> memref<80xi32, #tpu.memory_space<hbm>>
        tpu.enqueue_dma source(%dma_start3A_128 : memref<80xi32, #tpu.memory_space<hbm>>) target(%arg5 : memref<80xi32, #tpu.memory_space<vmem>>) target_semaphore(%run_scoped3A : memref<!tpu.dma_semaphore, #tpu.memory_space<semaphore_mem>>)
        %dma_wait3A = tpu.memref_slice %arg2[%add3A_127] : memref<320000xi32, #tpu.memory_space<hbm>> -> memref<80xi32, #tpu.memory_space<hbm>>
        %dma_wait3A_129 = tpu.memref_slice %arg2[%add3A_127] : memref<320000xi32, #tpu.memory_space<hbm>> -> memref<80xi32, #tpu.memory_space<hbm>>
        tpu.wait_dma2 semaphore(%run_scoped3A : memref<!tpu.dma_semaphore, #tpu.memory_space<semaphore_mem>>) src(%dma_wait3A_129 : memref<80xi32, #tpu.memory_space<hbm>>) dst(%arg5 : memref<80xi32, #tpu.memory_space<vmem>>)
        tpu.yield
      }) : () -> ()
      "tpu.region"() ({
        %run_scoped3A = tpu.sem_alloc : memref<!tpu.dma_semaphore, #tpu.memory_space<semaphore_mem>>
        %dma_start3A = arith.constant 0 : i32
        %dma_start3A_128 = tpu.memref_slice %arg3[%add3A_127, %dma_start3A] : memref<320000x128xf32, #tpu.memory_space<hbm>> -> memref<80x128xf32, #tpu.memory_space<hbm>>
        %dma_start3A_129 = arith.constant 0 : i32
        %dma_start3A_130 = tpu.memref_slice %arg3[%add3A_127, %dma_start3A_129] : memref<320000x128xf32, #tpu.memory_space<hbm>> -> memref<80x128xf32, #tpu.memory_space<hbm>>
        tpu.enqueue_dma source(%dma_start3A_130 : memref<80x128xf32, #tpu.memory_space<hbm>>) target(%arg6 : memref<80x128xf32, #tpu.memory_space<vmem>>) target_semaphore(%run_scoped3A : memref<!tpu.dma_semaphore, #tpu.memory_space<semaphore_mem>>)
        %dma_wait3A = arith.constant 0 : i32
        %dma_wait3A_131 = tpu.memref_slice %arg3[%add3A_127, %dma_wait3A] : memref<320000x128xf32, #tpu.memory_space<hbm>> -> memref<80x128xf32, #tpu.memory_space<hbm>>
        %dma_wait3A_132 = arith.constant 0 : i32
        %dma_wait3A_133 = tpu.memref_slice %arg3[%add3A_127, %dma_wait3A_132] : memref<320000x128xf32, #tpu.memory_space<hbm>> -> memref<80x128xf32, #tpu.memory_space<hbm>>
        tpu.wait_dma2 semaphore(%run_scoped3A : memref<!tpu.dma_semaphore, #tpu.memory_space<semaphore_mem>>) src(%dma_wait3A_133 : memref<80x128xf32, #tpu.memory_space<hbm>>) dst(%arg6 : memref<80x128xf32, #tpu.memory_space<vmem>>)
        tpu.yield
      }) : () -> ()
      "tpu.region"() ({
        %run_scoped3A = tpu.sem_alloc : memref<!tpu.dma_semaphore, #tpu.memory_space<semaphore_mem>>
        %dma_start3A = arith.constant 0 : i32
        %dma_start3A_128 = arith.constant 0 : i32
        %dma_start3A_129 = tpu.memref_slice %arg8[%dma_start3A, %dma_start3A_128] : memref<10000x128xf32, #tpu.memory_space<vmem_shared>> -> memref<10000x128xf32, #tpu.memory_space<vmem_shared>>
        tpu.enqueue_indirect_dma source(%arg6 : memref<80x128xf32, #tpu.memory_space<vmem>>) target(%dma_start3A_129 : memref<10000x128xf32, #tpu.memory_space<vmem_shared>>) offsets(%arg5 : memref<80xi32, #tpu.memory_space<vmem>>) semaphore(%run_scoped3A : memref<!tpu.dma_semaphore, #tpu.memory_space<semaphore_mem>>) {add = true}
        %dma_wait3A = arith.constant 0 : i32
        %dma_wait3A_130 = arith.constant 0 : i32
        %dma_wait3A_131 = tpu.memref_slice %arg8[%dma_wait3A, %dma_wait3A_130] : memref<10000x128xf32, #tpu.memory_space<vmem_shared>> -> memref<10000x128xf32, #tpu.memory_space<vmem_shared>>
        tpu.wait_indirect_dma semaphore(%run_scoped3A : memref<!tpu.dma_semaphore, #tpu.memory_space<semaphore_mem>>) src(%arg6 : memref<80x128xf32, #tpu.memory_space<vmem>>) dst(%dma_wait3A_131 : memref<10000x128xf32, #tpu.memory_space<vmem_shared>>)
        tpu.yield
      }) : () -> ()
    }
    %scan3A_66 = arith.constant 125 : i32
    %barrier3A_67 = arith.constant 0 : index
    tpu.barrier barrier_id(%barrier3A_67)
    %add3A_68 = arith.constant 0 : i32
    %add3A_69 = arith.addi %arg1, %add3A_68 : i32
    %lt3A_70 = arith.constant 125 : i32
    %lt3A_71 = arith.cmpi slt, %add3A_69, %lt3A_70 : i32
    %convert_element_type3A_72 = arith.extui %lt3A_71 : i1 to i32
    %cond3A_73 = arith.constant 0 : i32
    %cond3A_74 = arith.cmpi ne, %convert_element_type3A_72, %cond3A_73 : i32
    scf.if %cond3A_74 {
      %mul3A_124 = arith.constant 80 : i32
      %mul3A_125 = arith.muli %add3A_69, %mul3A_124 : i32
      "tpu.region"() ({
        %run_scoped3A = tpu.sem_alloc : memref<!tpu.dma_semaphore, #tpu.memory_space<semaphore_mem>>
        %dma_start3A = arith.constant 0 : i32
        %dma_start3A_126 = tpu.memref_slice %arg8[%mul3A_125, %dma_start3A] : memref<10000x128xf32, #tpu.memory_space<vmem_shared>> -> memref<80x128xf32, #tpu.memory_space<vmem_shared>>
        %dma_start3A_127 = arith.constant 0 : i32
        %dma_start3A_128 = tpu.memref_slice %arg8[%mul3A_125, %dma_start3A_127] : memref<10000x128xf32, #tpu.memory_space<vmem_shared>> -> memref<80x128xf32, #tpu.memory_space<vmem_shared>>
        tpu.enqueue_dma source(%dma_start3A_128 : memref<80x128xf32, #tpu.memory_space<vmem_shared>>) target(%arg7 : memref<80x128xf32, #tpu.memory_space<vmem>>) target_semaphore(%run_scoped3A : memref<!tpu.dma_semaphore, #tpu.memory_space<semaphore_mem>>)
        %dma_wait3A = arith.constant 0 : i32
        %dma_wait3A_129 = tpu.memref_slice %arg8[%mul3A_125, %dma_wait3A] : memref<10000x128xf32, #tpu.memory_space<vmem_shared>> -> memref<80x128xf32, #tpu.memory_space<vmem_shared>>
        %dma_wait3A_130 = arith.constant 0 : i32
        %dma_wait3A_131 = tpu.memref_slice %arg8[%mul3A_125, %dma_wait3A_130] : memref<10000x128xf32, #tpu.memory_space<vmem_shared>> -> memref<80x128xf32, #tpu.memory_space<vmem_shared>>
        tpu.wait_dma2 semaphore(%run_scoped3A : memref<!tpu.dma_semaphore, #tpu.memory_space<semaphore_mem>>) src(%dma_wait3A_131 : memref<80x128xf32, #tpu.memory_space<vmem_shared>>) dst(%arg7 : memref<80x128xf32, #tpu.memory_space<vmem>>)
        tpu.yield
      }) : () -> ()
      "tpu.region"() ({
        %run_scoped3A = tpu.sem_alloc : memref<!tpu.dma_semaphore, #tpu.memory_space<semaphore_mem>>
        %dma_start3A = arith.constant 0 : i32
        %dma_start3A_126 = tpu.memref_slice %arg4[%arg0, %mul3A_125, %dma_start3A] : memref<2x10000x128xf32, #tpu.memory_space<hbm>> -> memref<1x80x128xf32, #tpu.memory_space<hbm>>
        %dma_start3A_127 = tpu.memref_squeeze %dma_start3A_126 : memref<1x80x128xf32, #tpu.memory_space<hbm>> -> memref<80x128xf32, #tpu.memory_space<hbm>>
        %dma_start3A_128 = arith.constant 0 : i32
        %dma_start3A_129 = tpu.memref_slice %arg4[%arg0, %mul3A_125, %dma_start3A_128] : memref<2x10000x128xf32, #tpu.memory_space<hbm>> -> memref<1x80x128xf32, #tpu.memory_space<hbm>>
        %dma_start3A_130 = tpu.memref_squeeze %dma_start3A_129 : memref<1x80x128xf32, #tpu.memory_space<hbm>> -> memref<80x128xf32, #tpu.memory_space<hbm>>
        tpu.enqueue_dma source(%arg7 : memref<80x128xf32, #tpu.memory_space<vmem>>) target(%dma_start3A_130 : memref<80x128xf32, #tpu.memory_space<hbm>>) target_semaphore(%run_scoped3A : memref<!tpu.dma_semaphore, #tpu.memory_space<semaphore_mem>>)
        %dma_wait3A = arith.constant 0 : i32
        %dma_wait3A_131 = tpu.memref_slice %arg4[%arg0, %mul3A_125, %dma_wait3A] : memref<2x10000x128xf32, #tpu.memory_space<hbm>> -> memref<1x80x128xf32, #tpu.memory_space<hbm>>
        %dma_wait3A_132 = tpu.memref_squeeze %dma_wait3A_131 : memref<1x80x128xf32, #tpu.memory_space<hbm>> -> memref<80x128xf32, #tpu.memory_space<hbm>>
        %dma_wait3A_133 = arith.constant 0 : i32
        %dma_wait3A_134 = tpu.memref_slice %arg4[%arg0, %mul3A_125, %dma_wait3A_133] : memref<2x10000x128xf32, #tpu.memory_space<hbm>> -> memref<1x80x128xf32, #tpu.memory_space<hbm>>
        %dma_wait3A_135 = tpu.memref_squeeze %dma_wait3A_134 : memref<1x80x128xf32, #tpu.memory_space<hbm>> -> memref<80x128xf32, #tpu.memory_space<hbm>>
        tpu.wait_dma2 semaphore(%run_scoped3A : memref<!tpu.dma_semaphore, #tpu.memory_space<semaphore_mem>>) src(%arg7 : memref<80x128xf32, #tpu.memory_space<vmem>>) dst(%dma_wait3A_135 : memref<80x128xf32, #tpu.memory_space<hbm>>)
        tpu.yield
      }) : () -> ()
    } else {
    }
    %add3A_75 = arith.constant 16 : i32
    %add3A_76 = arith.addi %arg1, %add3A_75 : i32
    %lt3A_77 = arith.constant 125 : i32
    %lt3A_78 = arith.cmpi slt, %add3A_76, %lt3A_77 : i32
    %convert_element_type3A_79 = arith.extui %lt3A_78 : i1 to i32
    %cond3A_80 = arith.constant 0 : i32
    %cond3A_81 = arith.cmpi ne, %convert_element_type3A_79, %cond3A_80 : i32
    scf.if %cond3A_81 {
      %mul3A_124 = arith.constant 80 : i32
      %mul3A_125 = arith.muli %add3A_76, %mul3A_124 : i32
      "tpu.region"() ({
        %run_scoped3A = tpu.sem_alloc : memref<!tpu.dma_semaphore, #tpu.memory_space<semaphore_mem>>
        %dma_start3A = arith.constant 0 : i32
        %dma_start3A_126 = tpu.memref_slice %arg8[%mul3A_125, %dma_start3A] : memref<10000x128xf32, #tpu.memory_space<vmem_shared>> -> memref<80x128xf32, #tpu.memory_space<vmem_shared>>
        %dma_start3A_127 = arith.constant 0 : i32
        %dma_start3A_128 = tpu.memref_slice %arg8[%mul3A_125, %dma_start3A_127] : memref<10000x128xf32, #tpu.memory_space<vmem_shared>> -> memref<80x128xf32, #tpu.memory_space<vmem_shared>>
        tpu.enqueue_dma source(%dma_start3A_128 : memref<80x128xf32, #tpu.memory_space<vmem_shared>>) target(%arg7 : memref<80x128xf32, #tpu.memory_space<vmem>>) target_semaphore(%run_scoped3A : memref<!tpu.dma_semaphore, #tpu.memory_space<semaphore_mem>>)
        %dma_wait3A = arith.constant 0 : i32
        %dma_wait3A_129 = tpu.memref_slice %arg8[%mul3A_125, %dma_wait3A] : memref<10000x128xf32, #tpu.memory_space<vmem_shared>> -> memref<80x128xf32, #tpu.memory_space<vmem_shared>>
        %dma_wait3A_130 = arith.constant 0 : i32
        %dma_wait3A_131 = tpu.memref_slice %arg8[%mul3A_125, %dma_wait3A_130] : memref<10000x128xf32, #tpu.memory_space<vmem_shared>> -> memref<80x128xf32, #tpu.memory_space<vmem_shared>>
        tpu.wait_dma2 semaphore(%run_scoped3A : memref<!tpu.dma_semaphore, #tpu.memory_space<semaphore_mem>>) src(%dma_wait3A_131 : memref<80x128xf32, #tpu.memory_space<vmem_shared>>) dst(%arg7 : memref<80x128xf32, #tpu.memory_space<vmem>>)
        tpu.yield
      }) : () -> ()
      "tpu.region"() ({
        %run_scoped3A = tpu.sem_alloc : memref<!tpu.dma_semaphore, #tpu.memory_space<semaphore_mem>>
        %dma_start3A = arith.constant 0 : i32
        %dma_start3A_126 = tpu.memref_slice %arg4[%arg0, %mul3A_125, %dma_start3A] : memref<2x10000x128xf32, #tpu.memory_space<hbm>> -> memref<1x80x128xf32, #tpu.memory_space<hbm>>
        %dma_start3A_127 = tpu.memref_squeeze %dma_start3A_126 : memref<1x80x128xf32, #tpu.memory_space<hbm>> -> memref<80x128xf32, #tpu.memory_space<hbm>>
        %dma_start3A_128 = arith.constant 0 : i32
        %dma_start3A_129 = tpu.memref_slice %arg4[%arg0, %mul3A_125, %dma_start3A_128] : memref<2x10000x128xf32, #tpu.memory_space<hbm>> -> memref<1x80x128xf32, #tpu.memory_space<hbm>>
        %dma_start3A_130 = tpu.memref_squeeze %dma_start3A_129 : memref<1x80x128xf32, #tpu.memory_space<hbm>> -> memref<80x128xf32, #tpu.memory_space<hbm>>
        tpu.enqueue_dma source(%arg7 : memref<80x128xf32, #tpu.memory_space<vmem>>) target(%dma_start3A_130 : memref<80x128xf32, #tpu.memory_space<hbm>>) target_semaphore(%run_scoped3A : memref<!tpu.dma_semaphore, #tpu.memory_space<semaphore_mem>>)
        %dma_wait3A = arith.constant 0 : i32
        %dma_wait3A_131 = tpu.memref_slice %arg4[%arg0, %mul3A_125, %dma_wait3A] : memref<2x10000x128xf32, #tpu.memory_space<hbm>> -> memref<1x80x128xf32, #tpu.memory_space<hbm>>
        %dma_wait3A_132 = tpu.memref_squeeze %dma_wait3A_131 : memref<1x80x128xf32, #tpu.memory_space<hbm>> -> memref<80x128xf32, #tpu.memory_space<hbm>>
        %dma_wait3A_133 = arith.constant 0 : i32
        %dma_wait3A_134 = tpu.memref_slice %arg4[%arg0, %mul3A_125, %dma_wait3A_133] : memref<2x10000x128xf32, #tpu.memory_space<hbm>> -> memref<1x80x128xf32, #tpu.memory_space<hbm>>
        %dma_wait3A_135 = tpu.memref_squeeze %dma_wait3A_134 : memref<1x80x128xf32, #tpu.memory_space<hbm>> -> memref<80x128xf32, #tpu.memory_space<hbm>>
        tpu.wait_dma2 semaphore(%run_scoped3A : memref<!tpu.dma_semaphore, #tpu.memory_space<semaphore_mem>>) src(%arg7 : memref<80x128xf32, #tpu.memory_space<vmem>>) dst(%dma_wait3A_135 : memref<80x128xf32, #tpu.memory_space<hbm>>)
        tpu.yield
      }) : () -> ()
    } else {
    }
    %add3A_82 = arith.constant 32 : i32
    %add3A_83 = arith.addi %arg1, %add3A_82 : i32
    %lt3A_84 = arith.constant 125 : i32
    %lt3A_85 = arith.cmpi slt, %add3A_83, %lt3A_84 : i32
    %convert_element_type3A_86 = arith.extui %lt3A_85 : i1 to i32
    %cond3A_87 = arith.constant 0 : i32
    %cond3A_88 = arith.cmpi ne, %convert_element_type3A_86, %cond3A_87 : i32
    scf.if %cond3A_88 {
      %mul3A_124 = arith.constant 80 : i32
      %mul3A_125 = arith.muli %add3A_83, %mul3A_124 : i32
      "tpu.region"() ({
        %run_scoped3A = tpu.sem_alloc : memref<!tpu.dma_semaphore, #tpu.memory_space<semaphore_mem>>
        %dma_start3A = arith.constant 0 : i32
        %dma_start3A_126 = tpu.memref_slice %arg8[%mul3A_125, %dma_start3A] : memref<10000x128xf32, #tpu.memory_space<vmem_shared>> -> memref<80x128xf32, #tpu.memory_space<vmem_shared>>
        %dma_start3A_127 = arith.constant 0 : i32
        %dma_start3A_128 = tpu.memref_slice %arg8[%mul3A_125, %dma_start3A_127] : memref<10000x128xf32, #tpu.memory_space<vmem_shared>> -> memref<80x128xf32, #tpu.memory_space<vmem_shared>>
        tpu.enqueue_dma source(%dma_start3A_128 : memref<80x128xf32, #tpu.memory_space<vmem_shared>>) target(%arg7 : memref<80x128xf32, #tpu.memory_space<vmem>>) target_semaphore(%run_scoped3A : memref<!tpu.dma_semaphore, #tpu.memory_space<semaphore_mem>>)
        %dma_wait3A = arith.constant 0 : i32
        %dma_wait3A_129 = tpu.memref_slice %arg8[%mul3A_125, %dma_wait3A] : memref<10000x128xf32, #tpu.memory_space<vmem_shared>> -> memref<80x128xf32, #tpu.memory_space<vmem_shared>>
        %dma_wait3A_130 = arith.constant 0 : i32
        %dma_wait3A_131 = tpu.memref_slice %arg8[%mul3A_125, %dma_wait3A_130] : memref<10000x128xf32, #tpu.memory_space<vmem_shared>> -> memref<80x128xf32, #tpu.memory_space<vmem_shared>>
        tpu.wait_dma2 semaphore(%run_scoped3A : memref<!tpu.dma_semaphore, #tpu.memory_space<semaphore_mem>>) src(%dma_wait3A_131 : memref<80x128xf32, #tpu.memory_space<vmem_shared>>) dst(%arg7 : memref<80x128xf32, #tpu.memory_space<vmem>>)
        tpu.yield
      }) : () -> ()
      "tpu.region"() ({
        %run_scoped3A = tpu.sem_alloc : memref<!tpu.dma_semaphore, #tpu.memory_space<semaphore_mem>>
        %dma_start3A = arith.constant 0 : i32
        %dma_start3A_126 = tpu.memref_slice %arg4[%arg0, %mul3A_125, %dma_start3A] : memref<2x10000x128xf32, #tpu.memory_space<hbm>> -> memref<1x80x128xf32, #tpu.memory_space<hbm>>
        %dma_start3A_127 = tpu.memref_squeeze %dma_start3A_126 : memref<1x80x128xf32, #tpu.memory_space<hbm>> -> memref<80x128xf32, #tpu.memory_space<hbm>>
        %dma_start3A_128 = arith.constant 0 : i32
        %dma_start3A_129 = tpu.memref_slice %arg4[%arg0, %mul3A_125, %dma_start3A_128] : memref<2x10000x128xf32, #tpu.memory_space<hbm>> -> memref<1x80x128xf32, #tpu.memory_space<hbm>>
        %dma_start3A_130 = tpu.memref_squeeze %dma_start3A_129 : memref<1x80x128xf32, #tpu.memory_space<hbm>> -> memref<80x128xf32, #tpu.memory_space<hbm>>
        tpu.enqueue_dma source(%arg7 : memref<80x128xf32, #tpu.memory_space<vmem>>) target(%dma_start3A_130 : memref<80x128xf32, #tpu.memory_space<hbm>>) target_semaphore(%run_scoped3A : memref<!tpu.dma_semaphore, #tpu.memory_space<semaphore_mem>>)
        %dma_wait3A = arith.constant 0 : i32
        %dma_wait3A_131 = tpu.memref_slice %arg4[%arg0, %mul3A_125, %dma_wait3A] : memref<2x10000x128xf32, #tpu.memory_space<hbm>> -> memref<1x80x128xf32, #tpu.memory_space<hbm>>
        %dma_wait3A_132 = tpu.memref_squeeze %dma_wait3A_131 : memref<1x80x128xf32, #tpu.memory_space<hbm>> -> memref<80x128xf32, #tpu.memory_space<hbm>>
        %dma_wait3A_133 = arith.constant 0 : i32
        %dma_wait3A_134 = tpu.memref_slice %arg4[%arg0, %mul3A_125, %dma_wait3A_133] : memref<2x10000x128xf32, #tpu.memory_space<hbm>> -> memref<1x80x128xf32, #tpu.memory_space<hbm>>
        %dma_wait3A_135 = tpu.memref_squeeze %dma_wait3A_134 : memref<1x80x128xf32, #tpu.memory_space<hbm>> -> memref<80x128xf32, #tpu.memory_space<hbm>>
        tpu.wait_dma2 semaphore(%run_scoped3A : memref<!tpu.dma_semaphore, #tpu.memory_space<semaphore_mem>>) src(%arg7 : memref<80x128xf32, #tpu.memory_space<vmem>>) dst(%dma_wait3A_135 : memref<80x128xf32, #tpu.memory_space<hbm>>)
        tpu.yield
      }) : () -> ()
    } else {
    }
    %add3A_89 = arith.constant 48 : i32
    %add3A_90 = arith.addi %arg1, %add3A_89 : i32
    %lt3A_91 = arith.constant 125 : i32
    %lt3A_92 = arith.cmpi slt, %add3A_90, %lt3A_91 : i32
    %convert_element_type3A_93 = arith.extui %lt3A_92 : i1 to i32
    %cond3A_94 = arith.constant 0 : i32
    %cond3A_95 = arith.cmpi ne, %convert_element_type3A_93, %cond3A_94 : i32
    scf.if %cond3A_95 {
      %mul3A_124 = arith.constant 80 : i32
      %mul3A_125 = arith.muli %add3A_90, %mul3A_124 : i32
      "tpu.region"() ({
        %run_scoped3A = tpu.sem_alloc : memref<!tpu.dma_semaphore, #tpu.memory_space<semaphore_mem>>
        %dma_start3A = arith.constant 0 : i32
        %dma_start3A_126 = tpu.memref_slice %arg8[%mul3A_125, %dma_start3A] : memref<10000x128xf32, #tpu.memory_space<vmem_shared>> -> memref<80x128xf32, #tpu.memory_space<vmem_shared>>
        %dma_start3A_127 = arith.constant 0 : i32
        %dma_start3A_128 = tpu.memref_slice %arg8[%mul3A_125, %dma_start3A_127] : memref<10000x128xf32, #tpu.memory_space<vmem_shared>> -> memref<80x128xf32, #tpu.memory_space<vmem_shared>>
        tpu.enqueue_dma source(%dma_start3A_128 : memref<80x128xf32, #tpu.memory_space<vmem_shared>>) target(%arg7 : memref<80x128xf32, #tpu.memory_space<vmem>>) target_semaphore(%run_scoped3A : memref<!tpu.dma_semaphore, #tpu.memory_space<semaphore_mem>>)
        %dma_wait3A = arith.constant 0 : i32
        %dma_wait3A_129 = tpu.memref_slice %arg8[%mul3A_125, %dma_wait3A] : memref<10000x128xf32, #tpu.memory_space<vmem_shared>> -> memref<80x128xf32, #tpu.memory_space<vmem_shared>>
        %dma_wait3A_130 = arith.constant 0 : i32
        %dma_wait3A_131 = tpu.memref_slice %arg8[%mul3A_125, %dma_wait3A_130] : memref<10000x128xf32, #tpu.memory_space<vmem_shared>> -> memref<80x128xf32, #tpu.memory_space<vmem_shared>>
        tpu.wait_dma2 semaphore(%run_scoped3A : memref<!tpu.dma_semaphore, #tpu.memory_space<semaphore_mem>>) src(%dma_wait3A_131 : memref<80x128xf32, #tpu.memory_space<vmem_shared>>) dst(%arg7 : memref<80x128xf32, #tpu.memory_space<vmem>>)
        tpu.yield
      }) : () -> ()
      "tpu.region"() ({
        %run_scoped3A = tpu.sem_alloc : memref<!tpu.dma_semaphore, #tpu.memory_space<semaphore_mem>>
        %dma_start3A = arith.constant 0 : i32
        %dma_start3A_126 = tpu.memref_slice %arg4[%arg0, %mul3A_125, %dma_start3A] : memref<2x10000x128xf32, #tpu.memory_space<hbm>> -> memref<1x80x128xf32, #tpu.memory_space<hbm>>
        %dma_start3A_127 = tpu.memref_squeeze %dma_start3A_126 : memref<1x80x128xf32, #tpu.memory_space<hbm>> -> memref<80x128xf32, #tpu.memory_space<hbm>>
        %dma_start3A_128 = arith.constant 0 : i32
        %dma_start3A_129 = tpu.memref_slice %arg4[%arg0, %mul3A_125, %dma_start3A_128] : memref<2x10000x128xf32, #tpu.memory_space<hbm>> -> memref<1x80x128xf32, #tpu.memory_space<hbm>>
        %dma_start3A_130 = tpu.memref_squeeze %dma_start3A_129 : memref<1x80x128xf32, #tpu.memory_space<hbm>> -> memref<80x128xf32, #tpu.memory_space<hbm>>
        tpu.enqueue_dma source(%arg7 : memref<80x128xf32, #tpu.memory_space<vmem>>) target(%dma_start3A_130 : memref<80x128xf32, #tpu.memory_space<hbm>>) target_semaphore(%run_scoped3A : memref<!tpu.dma_semaphore, #tpu.memory_space<semaphore_mem>>)
        %dma_wait3A = arith.constant 0 : i32
        %dma_wait3A_131 = tpu.memref_slice %arg4[%arg0, %mul3A_125, %dma_wait3A] : memref<2x10000x128xf32, #tpu.memory_space<hbm>> -> memref<1x80x128xf32, #tpu.memory_space<hbm>>
        %dma_wait3A_132 = tpu.memref_squeeze %dma_wait3A_131 : memref<1x80x128xf32, #tpu.memory_space<hbm>> -> memref<80x128xf32, #tpu.memory_space<hbm>>
        %dma_wait3A_133 = arith.constant 0 : i32
        %dma_wait3A_134 = tpu.memref_slice %arg4[%arg0, %mul3A_125, %dma_wait3A_133] : memref<2x10000x128xf32, #tpu.memory_space<hbm>> -> memref<1x80x128xf32, #tpu.memory_space<hbm>>
        %dma_wait3A_135 = tpu.memref_squeeze %dma_wait3A_134 : memref<1x80x128xf32, #tpu.memory_space<hbm>> -> memref<80x128xf32, #tpu.memory_space<hbm>>
        tpu.wait_dma2 semaphore(%run_scoped3A : memref<!tpu.dma_semaphore, #tpu.memory_space<semaphore_mem>>) src(%arg7 : memref<80x128xf32, #tpu.memory_space<vmem>>) dst(%dma_wait3A_135 : memref<80x128xf32, #tpu.memory_space<hbm>>)
        tpu.yield
      }) : () -> ()
    } else {
    }
    %add3A_96 = arith.constant 64 : i32
    %add3A_97 = arith.addi %arg1, %add3A_96 : i32
    %lt3A_98 = arith.constant 125 : i32
    %lt3A_99 = arith.cmpi slt, %add3A_97, %lt3A_98 : i32
    %convert_element_type3A_100 = arith.extui %lt3A_99 : i1 to i32
    %cond3A_101 = arith.constant 0 : i32
    %cond3A_102 = arith.cmpi ne, %convert_element_type3A_100, %cond3A_101 : i32
    scf.if %cond3A_102 {
      %mul3A_124 = arith.constant 80 : i32
      %mul3A_125 = arith.muli %add3A_97, %mul3A_124 : i32
      "tpu.region"() ({
        %run_scoped3A = tpu.sem_alloc : memref<!tpu.dma_semaphore, #tpu.memory_space<semaphore_mem>>
        %dma_start3A = arith.constant 0 : i32
        %dma_start3A_126 = tpu.memref_slice %arg8[%mul3A_125, %dma_start3A] : memref<10000x128xf32, #tpu.memory_space<vmem_shared>> -> memref<80x128xf32, #tpu.memory_space<vmem_shared>>
        %dma_start3A_127 = arith.constant 0 : i32
        %dma_start3A_128 = tpu.memref_slice %arg8[%mul3A_125, %dma_start3A_127] : memref<10000x128xf32, #tpu.memory_space<vmem_shared>> -> memref<80x128xf32, #tpu.memory_space<vmem_shared>>
        tpu.enqueue_dma source(%dma_start3A_128 : memref<80x128xf32, #tpu.memory_space<vmem_shared>>) target(%arg7 : memref<80x128xf32, #tpu.memory_space<vmem>>) target_semaphore(%run_scoped3A : memref<!tpu.dma_semaphore, #tpu.memory_space<semaphore_mem>>)
        %dma_wait3A = arith.constant 0 : i32
        %dma_wait3A_129 = tpu.memref_slice %arg8[%mul3A_125, %dma_wait3A] : memref<10000x128xf32, #tpu.memory_space<vmem_shared>> -> memref<80x128xf32, #tpu.memory_space<vmem_shared>>
        %dma_wait3A_130 = arith.constant 0 : i32
        %dma_wait3A_131 = tpu.memref_slice %arg8[%mul3A_125, %dma_wait3A_130] : memref<10000x128xf32, #tpu.memory_space<vmem_shared>> -> memref<80x128xf32, #tpu.memory_space<vmem_shared>>
        tpu.wait_dma2 semaphore(%run_scoped3A : memref<!tpu.dma_semaphore, #tpu.memory_space<semaphore_mem>>) src(%dma_wait3A_131 : memref<80x128xf32, #tpu.memory_space<vmem_shared>>) dst(%arg7 : memref<80x128xf32, #tpu.memory_space<vmem>>)
        tpu.yield
      }) : () -> ()
      "tpu.region"() ({
        %run_scoped3A = tpu.sem_alloc : memref<!tpu.dma_semaphore, #tpu.memory_space<semaphore_mem>>
        %dma_start3A = arith.constant 0 : i32
        %dma_start3A_126 = tpu.memref_slice %arg4[%arg0, %mul3A_125, %dma_start3A] : memref<2x10000x128xf32, #tpu.memory_space<hbm>> -> memref<1x80x128xf32, #tpu.memory_space<hbm>>
        %dma_start3A_127 = tpu.memref_squeeze %dma_start3A_126 : memref<1x80x128xf32, #tpu.memory_space<hbm>> -> memref<80x128xf32, #tpu.memory_space<hbm>>
        %dma_start3A_128 = arith.constant 0 : i32
        %dma_start3A_129 = tpu.memref_slice %arg4[%arg0, %mul3A_125, %dma_start3A_128] : memref<2x10000x128xf32, #tpu.memory_space<hbm>> -> memref<1x80x128xf32, #tpu.memory_space<hbm>>
        %dma_start3A_130 = tpu.memref_squeeze %dma_start3A_129 : memref<1x80x128xf32, #tpu.memory_space<hbm>> -> memref<80x128xf32, #tpu.memory_space<hbm>>
        tpu.enqueue_dma source(%arg7 : memref<80x128xf32, #tpu.memory_space<vmem>>) target(%dma_start3A_130 : memref<80x128xf32, #tpu.memory_space<hbm>>) target_semaphore(%run_scoped3A : memref<!tpu.dma_semaphore, #tpu.memory_space<semaphore_mem>>)
        %dma_wait3A = arith.constant 0 : i32
        %dma_wait3A_131 = tpu.memref_slice %arg4[%arg0, %mul3A_125, %dma_wait3A] : memref<2x10000x128xf32, #tpu.memory_space<hbm>> -> memref<1x80x128xf32, #tpu.memory_space<hbm>>
        %dma_wait3A_132 = tpu.memref_squeeze %dma_wait3A_131 : memref<1x80x128xf32, #tpu.memory_space<hbm>> -> memref<80x128xf32, #tpu.memory_space<hbm>>
        %dma_wait3A_133 = arith.constant 0 : i32
        %dma_wait3A_134 = tpu.memref_slice %arg4[%arg0, %mul3A_125, %dma_wait3A_133] : memref<2x10000x128xf32, #tpu.memory_space<hbm>> -> memref<1x80x128xf32, #tpu.memory_space<hbm>>
        %dma_wait3A_135 = tpu.memref_squeeze %dma_wait3A_134 : memref<1x80x128xf32, #tpu.memory_space<hbm>> -> memref<80x128xf32, #tpu.memory_space<hbm>>
        tpu.wait_dma2 semaphore(%run_scoped3A : memref<!tpu.dma_semaphore, #tpu.memory_space<semaphore_mem>>) src(%arg7 : memref<80x128xf32, #tpu.memory_space<vmem>>) dst(%dma_wait3A_135 : memref<80x128xf32, #tpu.memory_space<hbm>>)
        tpu.yield
      }) : () -> ()
    } else {
    }
    %add3A_103 = arith.constant 80 : i32
    %add3A_104 = arith.addi %arg1, %add3A_103 : i32
    %lt3A_105 = arith.constant 125 : i32
    %lt3A_106 = arith.cmpi slt, %add3A_104, %lt3A_105 : i32
    %convert_element_type3A_107 = arith.extui %lt3A_106 : i1 to i32
    %cond3A_108 = arith.constant 0 : i32
    %cond3A_109 = arith.cmpi ne, %convert_element_type3A_107, %cond3A_108 : i32
    scf.if %cond3A_109 {
      %mul3A_124 = arith.constant 80 : i32
      %mul3A_125 = arith.muli %add3A_104, %mul3A_124 : i32
      "tpu.region"() ({
        %run_scoped3A = tpu.sem_alloc : memref<!tpu.dma_semaphore, #tpu.memory_space<semaphore_mem>>
        %dma_start3A = arith.constant 0 : i32
        %dma_start3A_126 = tpu.memref_slice %arg8[%mul3A_125, %dma_start3A] : memref<10000x128xf32, #tpu.memory_space<vmem_shared>> -> memref<80x128xf32, #tpu.memory_space<vmem_shared>>
        %dma_start3A_127 = arith.constant 0 : i32
        %dma_start3A_128 = tpu.memref_slice %arg8[%mul3A_125, %dma_start3A_127] : memref<10000x128xf32, #tpu.memory_space<vmem_shared>> -> memref<80x128xf32, #tpu.memory_space<vmem_shared>>
        tpu.enqueue_dma source(%dma_start3A_128 : memref<80x128xf32, #tpu.memory_space<vmem_shared>>) target(%arg7 : memref<80x128xf32, #tpu.memory_space<vmem>>) target_semaphore(%run_scoped3A : memref<!tpu.dma_semaphore, #tpu.memory_space<semaphore_mem>>)
        %dma_wait3A = arith.constant 0 : i32
        %dma_wait3A_129 = tpu.memref_slice %arg8[%mul3A_125, %dma_wait3A] : memref<10000x128xf32, #tpu.memory_space<vmem_shared>> -> memref<80x128xf32, #tpu.memory_space<vmem_shared>>
        %dma_wait3A_130 = arith.constant 0 : i32
        %dma_wait3A_131 = tpu.memref_slice %arg8[%mul3A_125, %dma_wait3A_130] : memref<10000x128xf32, #tpu.memory_space<vmem_shared>> -> memref<80x128xf32, #tpu.memory_space<vmem_shared>>
        tpu.wait_dma2 semaphore(%run_scoped3A : memref<!tpu.dma_semaphore, #tpu.memory_space<semaphore_mem>>) src(%dma_wait3A_131 : memref<80x128xf32, #tpu.memory_space<vmem_shared>>) dst(%arg7 : memref<80x128xf32, #tpu.memory_space<vmem>>)
        tpu.yield
      }) : () -> ()
      "tpu.region"() ({
        %run_scoped3A = tpu.sem_alloc : memref<!tpu.dma_semaphore, #tpu.memory_space<semaphore_mem>>
        %dma_start3A = arith.constant 0 : i32
        %dma_start3A_126 = tpu.memref_slice %arg4[%arg0, %mul3A_125, %dma_start3A] : memref<2x10000x128xf32, #tpu.memory_space<hbm>> -> memref<1x80x128xf32, #tpu.memory_space<hbm>>
        %dma_start3A_127 = tpu.memref_squeeze %dma_start3A_126 : memref<1x80x128xf32, #tpu.memory_space<hbm>> -> memref<80x128xf32, #tpu.memory_space<hbm>>
        %dma_start3A_128 = arith.constant 0 : i32
        %dma_start3A_129 = tpu.memref_slice %arg4[%arg0, %mul3A_125, %dma_start3A_128] : memref<2x10000x128xf32, #tpu.memory_space<hbm>> -> memref<1x80x128xf32, #tpu.memory_space<hbm>>
        %dma_start3A_130 = tpu.memref_squeeze %dma_start3A_129 : memref<1x80x128xf32, #tpu.memory_space<hbm>> -> memref<80x128xf32, #tpu.memory_space<hbm>>
        tpu.enqueue_dma source(%arg7 : memref<80x128xf32, #tpu.memory_space<vmem>>) target(%dma_start3A_130 : memref<80x128xf32, #tpu.memory_space<hbm>>) target_semaphore(%run_scoped3A : memref<!tpu.dma_semaphore, #tpu.memory_space<semaphore_mem>>)
        %dma_wait3A = arith.constant 0 : i32
        %dma_wait3A_131 = tpu.memref_slice %arg4[%arg0, %mul3A_125, %dma_wait3A] : memref<2x10000x128xf32, #tpu.memory_space<hbm>> -> memref<1x80x128xf32, #tpu.memory_space<hbm>>
        %dma_wait3A_132 = tpu.memref_squeeze %dma_wait3A_131 : memref<1x80x128xf32, #tpu.memory_space<hbm>> -> memref<80x128xf32, #tpu.memory_space<hbm>>
        %dma_wait3A_133 = arith.constant 0 : i32
        %dma_wait3A_134 = tpu.memref_slice %arg4[%arg0, %mul3A_125, %dma_wait3A_133] : memref<2x10000x128xf32, #tpu.memory_space<hbm>> -> memref<1x80x128xf32, #tpu.memory_space<hbm>>
        %dma_wait3A_135 = tpu.memref_squeeze %dma_wait3A_134 : memref<1x80x128xf32, #tpu.memory_space<hbm>> -> memref<80x128xf32, #tpu.memory_space<hbm>>
        tpu.wait_dma2 semaphore(%run_scoped3A : memref<!tpu.dma_semaphore, #tpu.memory_space<semaphore_mem>>) src(%arg7 : memref<80x128xf32, #tpu.memory_space<vmem>>) dst(%dma_wait3A_135 : memref<80x128xf32, #tpu.memory_space<hbm>>)
        tpu.yield
      }) : () -> ()
    } else {
    }
    %add3A_110 = arith.constant 96 : i32
    %add3A_111 = arith.addi %arg1, %add3A_110 : i32
    %lt3A_112 = arith.constant 125 : i32
    %lt3A_113 = arith.cmpi slt, %add3A_111, %lt3A_112 : i32
    %convert_element_type3A_114 = arith.extui %lt3A_113 : i1 to i32
    %cond3A_115 = arith.constant 0 : i32
    %cond3A_116 = arith.cmpi ne, %convert_element_type3A_114, %cond3A_115 : i32
    scf.if %cond3A_116 {
      %mul3A_124 = arith.constant 80 : i32
      %mul3A_125 = arith.muli %add3A_111, %mul3A_124 : i32
      "tpu.region"() ({
        %run_scoped3A = tpu.sem_alloc : memref<!tpu.dma_semaphore, #tpu.memory_space<semaphore_mem>>
        %dma_start3A = arith.constant 0 : i32
        %dma_start3A_126 = tpu.memref_slice %arg8[%mul3A_125, %dma_start3A] : memref<10000x128xf32, #tpu.memory_space<vmem_shared>> -> memref<80x128xf32, #tpu.memory_space<vmem_shared>>
        %dma_start3A_127 = arith.constant 0 : i32
        %dma_start3A_128 = tpu.memref_slice %arg8[%mul3A_125, %dma_start3A_127] : memref<10000x128xf32, #tpu.memory_space<vmem_shared>> -> memref<80x128xf32, #tpu.memory_space<vmem_shared>>
        tpu.enqueue_dma source(%dma_start3A_128 : memref<80x128xf32, #tpu.memory_space<vmem_shared>>) target(%arg7 : memref<80x128xf32, #tpu.memory_space<vmem>>) target_semaphore(%run_scoped3A : memref<!tpu.dma_semaphore, #tpu.memory_space<semaphore_mem>>)
        %dma_wait3A = arith.constant 0 : i32
        %dma_wait3A_129 = tpu.memref_slice %arg8[%mul3A_125, %dma_wait3A] : memref<10000x128xf32, #tpu.memory_space<vmem_shared>> -> memref<80x128xf32, #tpu.memory_space<vmem_shared>>
        %dma_wait3A_130 = arith.constant 0 : i32
        %dma_wait3A_131 = tpu.memref_slice %arg8[%mul3A_125, %dma_wait3A_130] : memref<10000x128xf32, #tpu.memory_space<vmem_shared>> -> memref<80x128xf32, #tpu.memory_space<vmem_shared>>
        tpu.wait_dma2 semaphore(%run_scoped3A : memref<!tpu.dma_semaphore, #tpu.memory_space<semaphore_mem>>) src(%dma_wait3A_131 : memref<80x128xf32, #tpu.memory_space<vmem_shared>>) dst(%arg7 : memref<80x128xf32, #tpu.memory_space<vmem>>)
        tpu.yield
      }) : () -> ()
      "tpu.region"() ({
        %run_scoped3A = tpu.sem_alloc : memref<!tpu.dma_semaphore, #tpu.memory_space<semaphore_mem>>
        %dma_start3A = arith.constant 0 : i32
        %dma_start3A_126 = tpu.memref_slice %arg4[%arg0, %mul3A_125, %dma_start3A] : memref<2x10000x128xf32, #tpu.memory_space<hbm>> -> memref<1x80x128xf32, #tpu.memory_space<hbm>>
        %dma_start3A_127 = tpu.memref_squeeze %dma_start3A_126 : memref<1x80x128xf32, #tpu.memory_space<hbm>> -> memref<80x128xf32, #tpu.memory_space<hbm>>
        %dma_start3A_128 = arith.constant 0 : i32
        %dma_start3A_129 = tpu.memref_slice %arg4[%arg0, %mul3A_125, %dma_start3A_128] : memref<2x10000x128xf32, #tpu.memory_space<hbm>> -> memref<1x80x128xf32, #tpu.memory_space<hbm>>
        %dma_start3A_130 = tpu.memref_squeeze %dma_start3A_129 : memref<1x80x128xf32, #tpu.memory_space<hbm>> -> memref<80x128xf32, #tpu.memory_space<hbm>>
        tpu.enqueue_dma source(%arg7 : memref<80x128xf32, #tpu.memory_space<vmem>>) target(%dma_start3A_130 : memref<80x128xf32, #tpu.memory_space<hbm>>) target_semaphore(%run_scoped3A : memref<!tpu.dma_semaphore, #tpu.memory_space<semaphore_mem>>)
        %dma_wait3A = arith.constant 0 : i32
        %dma_wait3A_131 = tpu.memref_slice %arg4[%arg0, %mul3A_125, %dma_wait3A] : memref<2x10000x128xf32, #tpu.memory_space<hbm>> -> memref<1x80x128xf32, #tpu.memory_space<hbm>>
        %dma_wait3A_132 = tpu.memref_squeeze %dma_wait3A_131 : memref<1x80x128xf32, #tpu.memory_space<hbm>> -> memref<80x128xf32, #tpu.memory_space<hbm>>
        %dma_wait3A_133 = arith.constant 0 : i32
        %dma_wait3A_134 = tpu.memref_slice %arg4[%arg0, %mul3A_125, %dma_wait3A_133] : memref<2x10000x128xf32, #tpu.memory_space<hbm>> -> memref<1x80x128xf32, #tpu.memory_space<hbm>>
        %dma_wait3A_135 = tpu.memref_squeeze %dma_wait3A_134 : memref<1x80x128xf32, #tpu.memory_space<hbm>> -> memref<80x128xf32, #tpu.memory_space<hbm>>
        tpu.wait_dma2 semaphore(%run_scoped3A : memref<!tpu.dma_semaphore, #tpu.memory_space<semaphore_mem>>) src(%arg7 : memref<80x128xf32, #tpu.memory_space<vmem>>) dst(%dma_wait3A_135 : memref<80x128xf32, #tpu.memory_space<hbm>>)
        tpu.yield
      }) : () -> ()
    } else {
    }
    %add3A_117 = arith.constant 112 : i32
    %add3A_118 = arith.addi %arg1, %add3A_117 : i32
    %lt3A_119 = arith.constant 125 : i32
    %lt3A_120 = arith.cmpi slt, %add3A_118, %lt3A_119 : i32
    %convert_element_type3A_121 = arith.extui %lt3A_120 : i1 to i32
    %cond3A_122 = arith.constant 0 : i32
    %cond3A_123 = arith.cmpi ne, %convert_element_type3A_121, %cond3A_122 : i32
    scf.if %cond3A_123 {
      %mul3A_124 = arith.constant 80 : i32
      %mul3A_125 = arith.muli %add3A_118, %mul3A_124 : i32
      "tpu.region"() ({
        %run_scoped3A = tpu.sem_alloc : memref<!tpu.dma_semaphore, #tpu.memory_space<semaphore_mem>>
        %dma_start3A = arith.constant 0 : i32
        %dma_start3A_126 = tpu.memref_slice %arg8[%mul3A_125, %dma_start3A] : memref<10000x128xf32, #tpu.memory_space<vmem_shared>> -> memref<80x128xf32, #tpu.memory_space<vmem_shared>>
        %dma_start3A_127 = arith.constant 0 : i32
        %dma_start3A_128 = tpu.memref_slice %arg8[%mul3A_125, %dma_start3A_127] : memref<10000x128xf32, #tpu.memory_space<vmem_shared>> -> memref<80x128xf32, #tpu.memory_space<vmem_shared>>
        tpu.enqueue_dma source(%dma_start3A_128 : memref<80x128xf32, #tpu.memory_space<vmem_shared>>) target(%arg7 : memref<80x128xf32, #tpu.memory_space<vmem>>) target_semaphore(%run_scoped3A : memref<!tpu.dma_semaphore, #tpu.memory_space<semaphore_mem>>)
        %dma_wait3A = arith.constant 0 : i32
        %dma_wait3A_129 = tpu.memref_slice %arg8[%mul3A_125, %dma_wait3A] : memref<10000x128xf32, #tpu.memory_space<vmem_shared>> -> memref<80x128xf32, #tpu.memory_space<vmem_shared>>
        %dma_wait3A_130 = arith.constant 0 : i32
        %dma_wait3A_131 = tpu.memref_slice %arg8[%mul3A_125, %dma_wait3A_130] : memref<10000x128xf32, #tpu.memory_space<vmem_shared>> -> memref<80x128xf32, #tpu.memory_space<vmem_shared>>
        tpu.wait_dma2 semaphore(%run_scoped3A : memref<!tpu.dma_semaphore, #tpu.memory_space<semaphore_mem>>) src(%dma_wait3A_131 : memref<80x128xf32, #tpu.memory_space<vmem_shared>>) dst(%arg7 : memref<80x128xf32, #tpu.memory_space<vmem>>)
        tpu.yield
      }) : () -> ()
      "tpu.region"() ({
        %run_scoped3A = tpu.sem_alloc : memref<!tpu.dma_semaphore, #tpu.memory_space<semaphore_mem>>
        %dma_start3A = arith.constant 0 : i32
        %dma_start3A_126 = tpu.memref_slice %arg4[%arg0, %mul3A_125, %dma_start3A] : memref<2x10000x128xf32, #tpu.memory_space<hbm>> -> memref<1x80x128xf32, #tpu.memory_space<hbm>>
        %dma_start3A_127 = tpu.memref_squeeze %dma_start3A_126 : memref<1x80x128xf32, #tpu.memory_space<hbm>> -> memref<80x128xf32, #tpu.memory_space<hbm>>
        %dma_start3A_128 = arith.constant 0 : i32
        %dma_start3A_129 = tpu.memref_slice %arg4[%arg0, %mul3A_125, %dma_start3A_128] : memref<2x10000x128xf32, #tpu.memory_space<hbm>> -> memref<1x80x128xf32, #tpu.memory_space<hbm>>
        %dma_start3A_130 = tpu.memref_squeeze %dma_start3A_129 : memref<1x80x128xf32, #tpu.memory_space<hbm>> -> memref<80x128xf32, #tpu.memory_space<hbm>>
        tpu.enqueue_dma source(%arg7 : memref<80x128xf32, #tpu.memory_space<vmem>>) target(%dma_start3A_130 : memref<80x128xf32, #tpu.memory_space<hbm>>) target_semaphore(%run_scoped3A : memref<!tpu.dma_semaphore, #tpu.memory_space<semaphore_mem>>)
        %dma_wait3A = arith.constant 0 : i32
        %dma_wait3A_131 = tpu.memref_slice %arg4[%arg0, %mul3A_125, %dma_wait3A] : memref<2x10000x128xf32, #tpu.memory_space<hbm>> -> memref<1x80x128xf32, #tpu.memory_space<hbm>>
        %dma_wait3A_132 = tpu.memref_squeeze %dma_wait3A_131 : memref<1x80x128xf32, #tpu.memory_space<hbm>> -> memref<80x128xf32, #tpu.memory_space<hbm>>
        %dma_wait3A_133 = arith.constant 0 : i32
        %dma_wait3A_134 = tpu.memref_slice %arg4[%arg0, %mul3A_125, %dma_wait3A_133] : memref<2x10000x128xf32, #tpu.memory_space<hbm>> -> memref<1x80x128xf32, #tpu.memory_space<hbm>>
        %dma_wait3A_135 = tpu.memref_squeeze %dma_wait3A_134 : memref<1x80x128xf32, #tpu.memory_space<hbm>> -> memref<80x128xf32, #tpu.memory_space<hbm>>
        tpu.wait_dma2 semaphore(%run_scoped3A : memref<!tpu.dma_semaphore, #tpu.memory_space<semaphore_mem>>) src(%arg7 : memref<80x128xf32, #tpu.memory_space<vmem>>) dst(%dma_wait3A_135 : memref<80x128xf32, #tpu.memory_space<hbm>>)
        tpu.yield
      }) : () -> ()
    } else {
    }
    return
  }
}

#map = affine_map<(d0, d1) -> (0)>
#map1 = affine_map<(d0, d1) -> (0, 0)>
module attributes {stable_mosaic.version = 14 : i64} {
  func.func @_gather_sum_body(%arg0: i32, %arg1: i32, %arg2: memref<320000xi32, #tpu.memory_space<hbm>>, %arg3: memref<320000xi32, #tpu.memory_space<hbm>>, %arg4: memref<10000x128xf32, #tpu.memory_space<hbm>>, %arg5: memref<10000x128xf32, #tpu.memory_space<hbm>>, %arg6: memref<320000x128xf32, #tpu.memory_space<hbm>>, %arg7: memref<80xi32, #tpu.memory_space<vmem>>, %arg8: memref<80xi32, #tpu.memory_space<vmem>>, %arg9: memref<80x128xf32, #tpu.memory_space<vmem>>, %arg10: memref<80x128xf32, #tpu.memory_space<vmem>>, %arg11: memref<!tpu.dma_semaphore, #tpu.memory_space<semaphore_mem>>) attributes {dimension_semantics = [#tpu.dimension_semantics<core_parallel>, #tpu.dimension_semantics<subcore_parallel>], iteration_bounds = array<i64: 2, 16>, scalar_prefetch = 0 : i64, scratch_operands = 5 : i64, tpu.core_type = #tpu.core_type<sc_vector_subcore>, window_params = [{transform_indices = #map}, {transform_indices = #map}, {transform_indices = #map1}, {transform_indices = #map1}, {transform_indices = #map1}]} {
    %mul3A = arith.constant 2 : i32
    %mul3A_0 = arith.muli %arg1, %mul3A : i32
    %add3A = arith.addi %mul3A_0, %arg0 : i32
    %mul3A_1 = arith.constant 10000 : i32
    %mul3A_2 = arith.muli %add3A, %mul3A_1 : i32
    %scan3A = arith.constant 0 : i32
    %scan3A_3 = arith.constant 0 : i32
    %scan3A_4 = arith.constant 125 : i32
    %scan3A_5 = arith.addi %scan3A_3, %scan3A_4 : i32
    %scan3A_6 = arith.constant 1 : i32
    scf.for %scan3A_8 = %scan3A_3 to %scan3A_5 step %scan3A_6  : i32 {
      %mul3A_9 = arith.constant 80 : i32
      %mul3A_10 = arith.muli %scan3A_8, %mul3A_9 : i32
      %add3A_11 = arith.addi %mul3A_2, %mul3A_10 : i32
      "tpu.region"() ({
        %run_scoped3A = tpu.sem_alloc : memref<!tpu.dma_semaphore, #tpu.memory_space<semaphore_mem>>
        %dma_start3A_27 = tpu.memref_slice %arg2[%add3A_11] : memref<320000xi32, #tpu.memory_space<hbm>> -> memref<80xi32, #tpu.memory_space<hbm>>
        %dma_start3A_28 = tpu.memref_slice %arg2[%add3A_11] : memref<320000xi32, #tpu.memory_space<hbm>> -> memref<80xi32, #tpu.memory_space<hbm>>
        tpu.enqueue_dma source(%dma_start3A_28 : memref<80xi32, #tpu.memory_space<hbm>>) target(%arg7 : memref<80xi32, #tpu.memory_space<vmem>>) target_semaphore(%run_scoped3A : memref<!tpu.dma_semaphore, #tpu.memory_space<semaphore_mem>>)
        %dma_wait3A_29 = tpu.memref_slice %arg2[%add3A_11] : memref<320000xi32, #tpu.memory_space<hbm>> -> memref<80xi32, #tpu.memory_space<hbm>>
        %dma_wait3A_30 = tpu.memref_slice %arg2[%add3A_11] : memref<320000xi32, #tpu.memory_space<hbm>> -> memref<80xi32, #tpu.memory_space<hbm>>
        tpu.wait_dma2 semaphore(%run_scoped3A : memref<!tpu.dma_semaphore, #tpu.memory_space<semaphore_mem>>) src(%dma_wait3A_30 : memref<80xi32, #tpu.memory_space<hbm>>) dst(%arg7 : memref<80xi32, #tpu.memory_space<vmem>>)
        tpu.yield
      }) : () -> ()
      "tpu.region"() ({
        %run_scoped3A = tpu.sem_alloc : memref<!tpu.dma_semaphore, #tpu.memory_space<semaphore_mem>>
        %dma_start3A_27 = tpu.memref_slice %arg3[%add3A_11] : memref<320000xi32, #tpu.memory_space<hbm>> -> memref<80xi32, #tpu.memory_space<hbm>>
        %dma_start3A_28 = tpu.memref_slice %arg3[%add3A_11] : memref<320000xi32, #tpu.memory_space<hbm>> -> memref<80xi32, #tpu.memory_space<hbm>>
        tpu.enqueue_dma source(%dma_start3A_28 : memref<80xi32, #tpu.memory_space<hbm>>) target(%arg8 : memref<80xi32, #tpu.memory_space<vmem>>) target_semaphore(%run_scoped3A : memref<!tpu.dma_semaphore, #tpu.memory_space<semaphore_mem>>)
        %dma_wait3A_29 = tpu.memref_slice %arg3[%add3A_11] : memref<320000xi32, #tpu.memory_space<hbm>> -> memref<80xi32, #tpu.memory_space<hbm>>
        %dma_wait3A_30 = tpu.memref_slice %arg3[%add3A_11] : memref<320000xi32, #tpu.memory_space<hbm>> -> memref<80xi32, #tpu.memory_space<hbm>>
        tpu.wait_dma2 semaphore(%run_scoped3A : memref<!tpu.dma_semaphore, #tpu.memory_space<semaphore_mem>>) src(%dma_wait3A_30 : memref<80xi32, #tpu.memory_space<hbm>>) dst(%arg8 : memref<80xi32, #tpu.memory_space<vmem>>)
        tpu.yield
      }) : () -> ()
      %dma_start3A = arith.constant 0 : i32
      %dma_start3A_12 = arith.constant 0 : i32
      %dma_start3A_13 = tpu.memref_slice %arg4[%dma_start3A, %dma_start3A_12] : memref<10000x128xf32, #tpu.memory_space<hbm>> -> memref<10000x128xf32, #tpu.memory_space<hbm>>
      tpu.enqueue_indirect_dma source(%dma_start3A_13 : memref<10000x128xf32, #tpu.memory_space<hbm>>) target(%arg9 : memref<80x128xf32, #tpu.memory_space<vmem>>) offsets(%arg7 : memref<80xi32, #tpu.memory_space<vmem>>) semaphore(%arg11 : memref<!tpu.dma_semaphore, #tpu.memory_space<semaphore_mem>>)
      %dma_start3A_14 = arith.constant 0 : i32
      %dma_start3A_15 = arith.constant 0 : i32
      %dma_start3A_16 = tpu.memref_slice %arg5[%dma_start3A_14, %dma_start3A_15] : memref<10000x128xf32, #tpu.memory_space<hbm>> -> memref<10000x128xf32, #tpu.memory_space<hbm>>
      tpu.enqueue_indirect_dma source(%dma_start3A_16 : memref<10000x128xf32, #tpu.memory_space<hbm>>) target(%arg10 : memref<80x128xf32, #tpu.memory_space<vmem>>) offsets(%arg8 : memref<80xi32, #tpu.memory_space<vmem>>) semaphore(%arg11 : memref<!tpu.dma_semaphore, #tpu.memory_space<semaphore_mem>>)
      %dma_wait3A = arith.constant 0 : i32
      %dma_wait3A_17 = arith.constant 0 : i32
      %dma_wait3A_18 = tpu.memref_slice %arg4[%dma_wait3A, %dma_wait3A_17] : memref<10000x128xf32, #tpu.memory_space<hbm>> -> memref<10000x128xf32, #tpu.memory_space<hbm>>
      tpu.wait_indirect_dma semaphore(%arg11 : memref<!tpu.dma_semaphore, #tpu.memory_space<semaphore_mem>>) src(%dma_wait3A_18 : memref<10000x128xf32, #tpu.memory_space<hbm>>) dst(%arg9 : memref<80x128xf32, #tpu.memory_space<vmem>>)
      %dma_wait3A_19 = arith.constant 0 : i32
      %dma_wait3A_20 = arith.constant 0 : i32
      %dma_wait3A_21 = tpu.memref_slice %arg5[%dma_wait3A_19, %dma_wait3A_20] : memref<10000x128xf32, #tpu.memory_space<hbm>> -> memref<10000x128xf32, #tpu.memory_space<hbm>>
      tpu.wait_indirect_dma semaphore(%arg11 : memref<!tpu.dma_semaphore, #tpu.memory_space<semaphore_mem>>) src(%dma_wait3A_21 : memref<10000x128xf32, #tpu.memory_space<hbm>>) dst(%arg10 : memref<80x128xf32, #tpu.memory_space<vmem>>)
      %scan3A_22 = arith.constant 0 : i32
      %scan3A_23 = arith.constant 80 : i32
      %scan3A_24 = arith.addi %scan3A_22, %scan3A_23 : i32
      %scan3A_25 = arith.constant 1 : i32
      scf.for %scan3A_27 = %scan3A_22 to %scan3A_24 step %scan3A_25  : i32 {
        %scan3A_28 = arith.constant 0 : i32
        %mul3A_29 = arith.constant 16 : i32
        %mul3A_30 = arith.muli %scan3A_28, %mul3A_29 : i32
        %get3A = arith.index_cast %scan3A_27 : i32 to index
        %get3A_31 = arith.index_cast %mul3A_30 : i32 to index
        %get3A_32 = tpu.vector_load %arg9[%get3A, %get3A_31] {strides = array<i32>} : memref<80x128xf32, #tpu.memory_space<vmem>>, vector<1x16xf32>,
        %get3A_33 = vector.shape_cast %get3A_32 : vector<1x16xf32> to vector<16xf32>
        %get3A_34 = arith.index_cast %scan3A_27 : i32 to index
        %get3A_35 = arith.index_cast %mul3A_30 : i32 to index
        %get3A_36 = tpu.vector_load %arg10[%get3A_34, %get3A_35] {strides = array<i32>} : memref<80x128xf32, #tpu.memory_space<vmem>>, vector<1x16xf32>,
        %get3A_37 = vector.shape_cast %get3A_36 : vector<1x16xf32> to vector<16xf32>
        %add3A_38 = arith.addf %get3A_33, %get3A_37 : vector<16xf32>
        %swap3A = arith.index_cast %scan3A_27 : i32 to index
        %swap3A_39 = arith.index_cast %mul3A_30 : i32 to index
        %swap3A_40 = tpu.vector_load %arg9[%swap3A, %swap3A_39] {strides = array<i32>} : memref<80x128xf32, #tpu.memory_space<vmem>>, vector<1x16xf32>,
        %swap3A_41 = vector.shape_cast %swap3A_40 : vector<1x16xf32> to vector<16xf32>
        %swap3A_42 = vector.shape_cast %add3A_38 : vector<16xf32> to vector<1x16xf32>
        tpu.vector_store %arg9[%swap3A, %swap3A_39], %swap3A_42 {strides = array<i32>} : memref<80x128xf32, #tpu.memory_space<vmem>>, vector<1x16xf32>,
        %scan3A_43 = arith.constant 1 : i32
        %mul3A_44 = arith.constant 16 : i32
        %mul3A_45 = arith.muli %scan3A_43, %mul3A_44 : i32
        %get3A_46 = arith.index_cast %scan3A_27 : i32 to index
        %get3A_47 = arith.index_cast %mul3A_45 : i32 to index
        %get3A_48 = tpu.vector_load %arg9[%get3A_46, %get3A_47] {strides = array<i32>} : memref<80x128xf32, #tpu.memory_space<vmem>>, vector<1x16xf32>,
        %get3A_49 = vector.shape_cast %get3A_48 : vector<1x16xf32> to vector<16xf32>
        %get3A_50 = arith.index_cast %scan3A_27 : i32 to index
        %get3A_51 = arith.index_cast %mul3A_45 : i32 to index
        %get3A_52 = tpu.vector_load %arg10[%get3A_50, %get3A_51] {strides = array<i32>} : memref<80x128xf32, #tpu.memory_space<vmem>>, vector<1x16xf32>,
        %get3A_53 = vector.shape_cast %get3A_52 : vector<1x16xf32> to vector<16xf32>
        %add3A_54 = arith.addf %get3A_49, %get3A_53 : vector<16xf32>
        %swap3A_55 = arith.index_cast %scan3A_27 : i32 to index
        %swap3A_56 = arith.index_cast %mul3A_45 : i32 to index
        %swap3A_57 = tpu.vector_load %arg9[%swap3A_55, %swap3A_56] {strides = array<i32>} : memref<80x128xf32, #tpu.memory_space<vmem>>, vector<1x16xf32>,
        %swap3A_58 = vector.shape_cast %swap3A_57 : vector<1x16xf32> to vector<16xf32>
        %swap3A_59 = vector.shape_cast %add3A_54 : vector<16xf32> to vector<1x16xf32>
        tpu.vector_store %arg9[%swap3A_55, %swap3A_56], %swap3A_59 {strides = array<i32>} : memref<80x128xf32, #tpu.memory_space<vmem>>, vector<1x16xf32>,
        %scan3A_60 = arith.constant 2 : i32
        %mul3A_61 = arith.constant 16 : i32
        %mul3A_62 = arith.muli %scan3A_60, %mul3A_61 : i32
        %get3A_63 = arith.index_cast %scan3A_27 : i32 to index
        %get3A_64 = arith.index_cast %mul3A_62 : i32 to index
        %get3A_65 = tpu.vector_load %arg9[%get3A_63, %get3A_64] {strides = array<i32>} : memref<80x128xf32, #tpu.memory_space<vmem>>, vector<1x16xf32>,
        %get3A_66 = vector.shape_cast %get3A_65 : vector<1x16xf32> to vector<16xf32>
        %get3A_67 = arith.index_cast %scan3A_27 : i32 to index
        %get3A_68 = arith.index_cast %mul3A_62 : i32 to index
        %get3A_69 = tpu.vector_load %arg10[%get3A_67, %get3A_68] {strides = array<i32>} : memref<80x128xf32, #tpu.memory_space<vmem>>, vector<1x16xf32>,
        %get3A_70 = vector.shape_cast %get3A_69 : vector<1x16xf32> to vector<16xf32>
        %add3A_71 = arith.addf %get3A_66, %get3A_70 : vector<16xf32>
        %swap3A_72 = arith.index_cast %scan3A_27 : i32 to index
        %swap3A_73 = arith.index_cast %mul3A_62 : i32 to index
        %swap3A_74 = tpu.vector_load %arg9[%swap3A_72, %swap3A_73] {strides = array<i32>} : memref<80x128xf32, #tpu.memory_space<vmem>>, vector<1x16xf32>,
        %swap3A_75 = vector.shape_cast %swap3A_74 : vector<1x16xf32> to vector<16xf32>
        %swap3A_76 = vector.shape_cast %add3A_71 : vector<16xf32> to vector<1x16xf32>
        tpu.vector_store %arg9[%swap3A_72, %swap3A_73], %swap3A_76 {strides = array<i32>} : memref<80x128xf32, #tpu.memory_space<vmem>>, vector<1x16xf32>,
        %scan3A_77 = arith.constant 3 : i32
        %mul3A_78 = arith.constant 16 : i32
        %mul3A_79 = arith.muli %scan3A_77, %mul3A_78 : i32
        %get3A_80 = arith.index_cast %scan3A_27 : i32 to index
        %get3A_81 = arith.index_cast %mul3A_79 : i32 to index
        %get3A_82 = tpu.vector_load %arg9[%get3A_80, %get3A_81] {strides = array<i32>} : memref<80x128xf32, #tpu.memory_space<vmem>>, vector<1x16xf32>,
        %get3A_83 = vector.shape_cast %get3A_82 : vector<1x16xf32> to vector<16xf32>
        %get3A_84 = arith.index_cast %scan3A_27 : i32 to index
        %get3A_85 = arith.index_cast %mul3A_79 : i32 to index
        %get3A_86 = tpu.vector_load %arg10[%get3A_84, %get3A_85] {strides = array<i32>} : memref<80x128xf32, #tpu.memory_space<vmem>>, vector<1x16xf32>,
        %get3A_87 = vector.shape_cast %get3A_86 : vector<1x16xf32> to vector<16xf32>
        %add3A_88 = arith.addf %get3A_83, %get3A_87 : vector<16xf32>
        %swap3A_89 = arith.index_cast %scan3A_27 : i32 to index
        %swap3A_90 = arith.index_cast %mul3A_79 : i32 to index
        %swap3A_91 = tpu.vector_load %arg9[%swap3A_89, %swap3A_90] {strides = array<i32>} : memref<80x128xf32, #tpu.memory_space<vmem>>, vector<1x16xf32>,
        %swap3A_92 = vector.shape_cast %swap3A_91 : vector<1x16xf32> to vector<16xf32>
        %swap3A_93 = vector.shape_cast %add3A_88 : vector<16xf32> to vector<1x16xf32>
        tpu.vector_store %arg9[%swap3A_89, %swap3A_90], %swap3A_93 {strides = array<i32>} : memref<80x128xf32, #tpu.memory_space<vmem>>, vector<1x16xf32>,
        %scan3A_94 = arith.constant 4 : i32
        %mul3A_95 = arith.constant 16 : i32
        %mul3A_96 = arith.muli %scan3A_94, %mul3A_95 : i32
        %get3A_97 = arith.index_cast %scan3A_27 : i32 to index
        %get3A_98 = arith.index_cast %mul3A_96 : i32 to index
        %get3A_99 = tpu.vector_load %arg9[%get3A_97, %get3A_98] {strides = array<i32>} : memref<80x128xf32, #tpu.memory_space<vmem>>, vector<1x16xf32>,
        %get3A_100 = vector.shape_cast %get3A_99 : vector<1x16xf32> to vector<16xf32>
        %get3A_101 = arith.index_cast %scan3A_27 : i32 to index
        %get3A_102 = arith.index_cast %mul3A_96 : i32 to index
        %get3A_103 = tpu.vector_load %arg10[%get3A_101, %get3A_102] {strides = array<i32>} : memref<80x128xf32, #tpu.memory_space<vmem>>, vector<1x16xf32>,
        %get3A_104 = vector.shape_cast %get3A_103 : vector<1x16xf32> to vector<16xf32>
        %add3A_105 = arith.addf %get3A_100, %get3A_104 : vector<16xf32>
        %swap3A_106 = arith.index_cast %scan3A_27 : i32 to index
        %swap3A_107 = arith.index_cast %mul3A_96 : i32 to index
        %swap3A_108 = tpu.vector_load %arg9[%swap3A_106, %swap3A_107] {strides = array<i32>} : memref<80x128xf32, #tpu.memory_space<vmem>>, vector<1x16xf32>,
        %swap3A_109 = vector.shape_cast %swap3A_108 : vector<1x16xf32> to vector<16xf32>
        %swap3A_110 = vector.shape_cast %add3A_105 : vector<16xf32> to vector<1x16xf32>
        tpu.vector_store %arg9[%swap3A_106, %swap3A_107], %swap3A_110 {strides = array<i32>} : memref<80x128xf32, #tpu.memory_space<vmem>>, vector<1x16xf32>,
        %scan3A_111 = arith.constant 5 : i32
        %mul3A_112 = arith.constant 16 : i32
        %mul3A_113 = arith.muli %scan3A_111, %mul3A_112 : i32
        %get3A_114 = arith.index_cast %scan3A_27 : i32 to index
        %get3A_115 = arith.index_cast %mul3A_113 : i32 to index
        %get3A_116 = tpu.vector_load %arg9[%get3A_114, %get3A_115] {strides = array<i32>} : memref<80x128xf32, #tpu.memory_space<vmem>>, vector<1x16xf32>,
        %get3A_117 = vector.shape_cast %get3A_116 : vector<1x16xf32> to vector<16xf32>
        %get3A_118 = arith.index_cast %scan3A_27 : i32 to index
        %get3A_119 = arith.index_cast %mul3A_113 : i32 to index
        %get3A_120 = tpu.vector_load %arg10[%get3A_118, %get3A_119] {strides = array<i32>} : memref<80x128xf32, #tpu.memory_space<vmem>>, vector<1x16xf32>,
        %get3A_121 = vector.shape_cast %get3A_120 : vector<1x16xf32> to vector<16xf32>
        %add3A_122 = arith.addf %get3A_117, %get3A_121 : vector<16xf32>
        %swap3A_123 = arith.index_cast %scan3A_27 : i32 to index
        %swap3A_124 = arith.index_cast %mul3A_113 : i32 to index
        %swap3A_125 = tpu.vector_load %arg9[%swap3A_123, %swap3A_124] {strides = array<i32>} : memref<80x128xf32, #tpu.memory_space<vmem>>, vector<1x16xf32>,
        %swap3A_126 = vector.shape_cast %swap3A_125 : vector<1x16xf32> to vector<16xf32>
        %swap3A_127 = vector.shape_cast %add3A_122 : vector<16xf32> to vector<1x16xf32>
        tpu.vector_store %arg9[%swap3A_123, %swap3A_124], %swap3A_127 {strides = array<i32>} : memref<80x128xf32, #tpu.memory_space<vmem>>, vector<1x16xf32>,
        %scan3A_128 = arith.constant 6 : i32
        %mul3A_129 = arith.constant 16 : i32
        %mul3A_130 = arith.muli %scan3A_128, %mul3A_129 : i32
        %get3A_131 = arith.index_cast %scan3A_27 : i32 to index
        %get3A_132 = arith.index_cast %mul3A_130 : i32 to index
        %get3A_133 = tpu.vector_load %arg9[%get3A_131, %get3A_132] {strides = array<i32>} : memref<80x128xf32, #tpu.memory_space<vmem>>, vector<1x16xf32>,
        %get3A_134 = vector.shape_cast %get3A_133 : vector<1x16xf32> to vector<16xf32>
        %get3A_135 = arith.index_cast %scan3A_27 : i32 to index
        %get3A_136 = arith.index_cast %mul3A_130 : i32 to index
        %get3A_137 = tpu.vector_load %arg10[%get3A_135, %get3A_136] {strides = array<i32>} : memref<80x128xf32, #tpu.memory_space<vmem>>, vector<1x16xf32>,
        %get3A_138 = vector.shape_cast %get3A_137 : vector<1x16xf32> to vector<16xf32>
        %add3A_139 = arith.addf %get3A_134, %get3A_138 : vector<16xf32>
        %swap3A_140 = arith.index_cast %scan3A_27 : i32 to index
        %swap3A_141 = arith.index_cast %mul3A_130 : i32 to index
        %swap3A_142 = tpu.vector_load %arg9[%swap3A_140, %swap3A_141] {strides = array<i32>} : memref<80x128xf32, #tpu.memory_space<vmem>>, vector<1x16xf32>,
        %swap3A_143 = vector.shape_cast %swap3A_142 : vector<1x16xf32> to vector<16xf32>
        %swap3A_144 = vector.shape_cast %add3A_139 : vector<16xf32> to vector<1x16xf32>
        tpu.vector_store %arg9[%swap3A_140, %swap3A_141], %swap3A_144 {strides = array<i32>} : memref<80x128xf32, #tpu.memory_space<vmem>>, vector<1x16xf32>,
        %scan3A_145 = arith.constant 7 : i32
        %mul3A_146 = arith.constant 16 : i32
        %mul3A_147 = arith.muli %scan3A_145, %mul3A_146 : i32
        %get3A_148 = arith.index_cast %scan3A_27 : i32 to index
        %get3A_149 = arith.index_cast %mul3A_147 : i32 to index
        %get3A_150 = tpu.vector_load %arg9[%get3A_148, %get3A_149] {strides = array<i32>} : memref<80x128xf32, #tpu.memory_space<vmem>>, vector<1x16xf32>,
        %get3A_151 = vector.shape_cast %get3A_150 : vector<1x16xf32> to vector<16xf32>
        %get3A_152 = arith.index_cast %scan3A_27 : i32 to index
        %get3A_153 = arith.index_cast %mul3A_147 : i32 to index
        %get3A_154 = tpu.vector_load %arg10[%get3A_152, %get3A_153] {strides = array<i32>} : memref<80x128xf32, #tpu.memory_space<vmem>>, vector<1x16xf32>,
        %get3A_155 = vector.shape_cast %get3A_154 : vector<1x16xf32> to vector<16xf32>
        %add3A_156 = arith.addf %get3A_151, %get3A_155 : vector<16xf32>
        %swap3A_157 = arith.index_cast %scan3A_27 : i32 to index
        %swap3A_158 = arith.index_cast %mul3A_147 : i32 to index
        %swap3A_159 = tpu.vector_load %arg9[%swap3A_157, %swap3A_158] {strides = array<i32>} : memref<80x128xf32, #tpu.memory_space<vmem>>, vector<1x16xf32>,
        %swap3A_160 = vector.shape_cast %swap3A_159 : vector<1x16xf32> to vector<16xf32>
        %swap3A_161 = vector.shape_cast %add3A_156 : vector<16xf32> to vector<1x16xf32>
        tpu.vector_store %arg9[%swap3A_157, %swap3A_158], %swap3A_161 {strides = array<i32>} : memref<80x128xf32, #tpu.memory_space<vmem>>, vector<1x16xf32>,
        %scan3A_162 = arith.constant 8 : i32
      }
      %scan3A_26 = arith.constant 80 : i32
      "tpu.region"() ({
        %run_scoped3A = tpu.sem_alloc : memref<!tpu.dma_semaphore, #tpu.memory_space<semaphore_mem>>
        %dma_start3A_27 = arith.constant 0 : i32
        %dma_start3A_28 = tpu.memref_slice %arg6[%add3A_11, %dma_start3A_27] : memref<320000x128xf32, #tpu.memory_space<hbm>> -> memref<80x128xf32, #tpu.memory_space<hbm>>
        %dma_start3A_29 = arith.constant 0 : i32
        %dma_start3A_30 = tpu.memref_slice %arg6[%add3A_11, %dma_start3A_29] : memref<320000x128xf32, #tpu.memory_space<hbm>> -> memref<80x128xf32, #tpu.memory_space<hbm>>
        tpu.enqueue_dma source(%arg9 : memref<80x128xf32, #tpu.memory_space<vmem>>) target(%dma_start3A_30 : memref<80x128xf32, #tpu.memory_space<hbm>>) target_semaphore(%run_scoped3A : memref<!tpu.dma_semaphore, #tpu.memory_space<semaphore_mem>>)
        %dma_wait3A_31 = arith.constant 0 : i32
        %dma_wait3A_32 = tpu.memref_slice %arg6[%add3A_11, %dma_wait3A_31] : memref<320000x128xf32, #tpu.memory_space<hbm>> -> memref<80x128xf32, #tpu.memory_space<hbm>>
        %dma_wait3A_33 = arith.constant 0 : i32
        %dma_wait3A_34 = tpu.memref_slice %arg6[%add3A_11, %dma_wait3A_33] : memref<320000x128xf32, #tpu.memory_space<hbm>> -> memref<80x128xf32, #tpu.memory_space<hbm>>
        tpu.wait_dma2 semaphore(%run_scoped3A : memref<!tpu.dma_semaphore, #tpu.memory_space<semaphore_mem>>) src(%arg9 : memref<80x128xf32, #tpu.memory_space<vmem>>) dst(%dma_wait3A_34 : memref<80x128xf32, #tpu.memory_space<hbm>>)
        tpu.yield
      }) : () -> ()
    }
    %scan3A_7 = arith.constant 125 : i32
    return
  }
}

module attributes {stable_mosaic.version = 14 : i64} {
  func.func @_proj_body(%arg0: i32, %arg1: memref<2000x128xf32, #tpu.memory_space<vmem>>, %arg2: memref<128x128xf32, #tpu.memory_space<vmem>>, %arg3: memref<128x128xf32, #tpu.memory_space<vmem>>, %arg4: memref<2000x128xf32, #tpu.memory_space<vmem>>, %arg5: memref<2000x128xf32, #tpu.memory_space<vmem>>) attributes {dimension_semantics = [#tpu.dimension_semantics<arbitrary>], iteration_bounds = array<i64: 5>, scalar_prefetch = 0 : i64, scratch_operands = 0 : i64, tpu.core_type = #tpu.core_type<tc>, window_params = [{transform_indices = @transform_0, window_bounds = array<i64: 2000, 128>}, {pipeline_mode = #tpu.pipeline_mode<synchronous>, transform_indices = @transform_1, window_bounds = array<i64: 128, 128>}, {pipeline_mode = #tpu.pipeline_mode<synchronous>, transform_indices = @transform_2, window_bounds = array<i64: 128, 128>}, {transform_indices = @transform_3, window_bounds = array<i64: 2000, 128>}, {transform_indices = @transform_4, window_bounds = array<i64: 2000, 128>}]} {
    %get3A = arith.constant 0 : index
    %get3A_0 = arith.constant 0 : index
    %get3A_1 = vector.load %arg1[%get3A, %get3A_0] : memref<2000x128xf32, #tpu.memory_space<vmem>>, vector<2000x128xf32>
    %get3A_2 = arith.constant 0 : index
    %get3A_3 = arith.constant 0 : index
    %get3A_4 = vector.load %arg2[%get3A_2, %get3A_3] : memref<128x128xf32, #tpu.memory_space<vmem>>, vector<128x128xf32>
    %dot_general3A = arith.constant dense<0.000000e+00> : vector<2000x128xf32>
    %dot_general3A_5 = tpu.matmul %get3A_1, %get3A_4, %dot_general3A {dimension_numbers = #tpu.dot_dimension_numbers<[1], [0], [0], [1], [0, 0, 1, 1], [], []>, transpose_lhs_hint = false} : vector<2000x128xf32>, vector<128x128xf32>, vector<2000x128xf32> -> vector<2000x128xf32>
    %swap3A = arith.constant 0 : index
    %swap3A_6 = arith.constant 0 : index
    %swap3A_7 = vector.load %arg4[%swap3A, %swap3A_6] : memref<2000x128xf32, #tpu.memory_space<vmem>>, vector<2000x128xf32>
    tpu.vector_store %arg4[%swap3A, %swap3A_6], %dot_general3A_5 {strides = array<i32>} : memref<2000x128xf32, #tpu.memory_space<vmem>>, vector<2000x128xf32>,
    %get3A_8 = arith.constant 0 : index
    %get3A_9 = arith.constant 0 : index
    %get3A_10 = vector.load %arg3[%get3A_8, %get3A_9] : memref<128x128xf32, #tpu.memory_space<vmem>>, vector<128x128xf32>
    %dot_general3A_11 = arith.constant dense<0.000000e+00> : vector<2000x128xf32>
    %dot_general3A_12 = tpu.matmul %get3A_1, %get3A_10, %dot_general3A_11 {dimension_numbers = #tpu.dot_dimension_numbers<[1], [0], [0], [1], [0, 0, 1, 1], [], []>, transpose_lhs_hint = false} : vector<2000x128xf32>, vector<128x128xf32>, vector<2000x128xf32> -> vector<2000x128xf32>
    %swap3A_13 = arith.constant 0 : index
    %swap3A_14 = arith.constant 0 : index
    %swap3A_15 = vector.load %arg5[%swap3A_13, %swap3A_14] : memref<2000x128xf32, #tpu.memory_space<vmem>>, vector<2000x128xf32>
    tpu.vector_store %arg5[%swap3A_13, %swap3A_14], %dot_general3A_12 {strides = array<i32>} : memref<2000x128xf32, #tpu.memory_space<vmem>>, vector<2000x128xf32>,
    return
  }
  func.func @transform_0(%arg0: i32) -> (i32, i32) {
    %c0_i32 = arith.constant 0 : i32
    %c0_i32_0 = arith.constant 0 : i32
    return %arg0, %c0_i32 : i32, i32
  }
  func.func @transform_1(%arg0: i32) -> (i32, i32) {
    %c0_i32 = arith.constant 0 : i32
    %c0_i32_0 = arith.constant 0 : i32
    %c0_i32_1 = arith.constant 0 : i32
    return %c0_i32, %c0_i32_0 : i32, i32
  }
  func.func @transform_2(%arg0: i32) -> (i32, i32) {
    %c0_i32 = arith.constant 0 : i32
    %c0_i32_0 = arith.constant 0 : i32
    %c0_i32_1 = arith.constant 0 : i32
    return %c0_i32, %c0_i32_0 : i32, i32
  }
  func.func @transform_3(%arg0: i32) -> (i32, i32) {
    %c0_i32 = arith.constant 0 : i32
    %c0_i32_0 = arith.constant 0 : i32
    return %arg0, %c0_i32 : i32, i32
  }
  func.func @transform_4(%arg0: i32) -> (i32, i32) {
    %c0_i32 = arith.constant 0 : i32
    %c0_i32_0 = arith.constant 0 : i32
    return %arg0, %c0_i32 : i32, i32
  }
}

module attributes {stable_mosaic.version = 14 : i64} {
  func.func @_msg_body(%arg0: i32, %arg1: memref<3200x128xf32, #tpu.memory_space<vmem>>, %arg2: memref<3200x16xf32, #tpu.memory_space<vmem>>, %arg3: memref<16x128xf32, #tpu.memory_space<vmem>>, %arg4: memref<1x128xf32, #tpu.memory_space<vmem>>, %arg5: memref<128x128xf32, #tpu.memory_space<vmem>>, %arg6: memref<1x128xf32, #tpu.memory_space<vmem>>, %arg7: memref<3200x128xf32, #tpu.memory_space<vmem>>) attributes {dimension_semantics = [#tpu.dimension_semantics<arbitrary>], iteration_bounds = array<i64: 100>, scalar_prefetch = 0 : i64, scratch_operands = 0 : i64, tpu.core_type = #tpu.core_type<tc>, window_params = [{transform_indices = @transform_0, window_bounds = array<i64: 3200, 128>}, {transform_indices = @transform_1, window_bounds = array<i64: 3200, 16>}, {pipeline_mode = #tpu.pipeline_mode<synchronous>, transform_indices = @transform_2, window_bounds = array<i64: 16, 128>}, {pipeline_mode = #tpu.pipeline_mode<synchronous>, transform_indices = @transform_3, window_bounds = array<i64: 1, 128>}, {pipeline_mode = #tpu.pipeline_mode<synchronous>, transform_indices = @transform_4, window_bounds = array<i64: 128, 128>}, {pipeline_mode = #tpu.pipeline_mode<synchronous>, transform_indices = @transform_5, window_bounds = array<i64: 1, 128>}, {transform_indices = @transform_6, window_bounds = array<i64: 3200, 128>}]} {
    %get3A = arith.constant 0 : index
    %get3A_0 = arith.constant 0 : index
    %get3A_1 = vector.load %arg2[%get3A, %get3A_0] : memref<3200x16xf32, #tpu.memory_space<vmem>>, vector<3200x16xf32>
    %get3A_2 = arith.constant 0 : index
    %get3A_3 = arith.constant 0 : index
    %get3A_4 = vector.load %arg3[%get3A_2, %get3A_3] : memref<16x128xf32, #tpu.memory_space<vmem>>, vector<16x128xf32>
    %dot_general3A = arith.constant dense<0.000000e+00> : vector<3200x128xf32>
    %dot_general3A_5 = tpu.matmul %get3A_1, %get3A_4, %dot_general3A {dimension_numbers = #tpu.dot_dimension_numbers<[1], [0], [0], [1], [0, 0, 1, 1], [], []>, transpose_lhs_hint = false} : vector<3200x16xf32>, vector<16x128xf32>, vector<3200x128xf32> -> vector<3200x128xf32>
    %get3A_6 = arith.constant 0 : index
    %get3A_7 = arith.constant 0 : index
    %get3A_8 = vector.load %arg1[%get3A_6, %get3A_7] : memref<3200x128xf32, #tpu.memory_space<vmem>>, vector<3200x128xf32>
    %add3A = arith.addf %get3A_8, %dot_general3A_5 : vector<3200x128xf32>
    %get3A_9 = arith.constant 0 : index
    %get3A_10 = arith.constant 0 : index
    %get3A_11 = vector.load %arg4[%get3A_9, %get3A_10] : memref<1x128xf32, #tpu.memory_space<vmem>>, vector<1x128xf32>
    %add3A_12 = vector.broadcast %get3A_11 : vector<1x128xf32> to vector<3200x128xf32>
    %add3A_13 = arith.addf %add3A, %add3A_12 : vector<3200x128xf32>
    %max3A = arith.constant 0.000000e+00 : f32
    %max3A_14 = vector.broadcast %max3A : f32 to vector<3200x128xf32>
    %max3A_15 = arith.maximumf %add3A_13, %max3A_14 : vector<3200x128xf32>
    %get3A_16 = arith.constant 0 : index
    %get3A_17 = arith.constant 0 : index
    %get3A_18 = vector.load %arg5[%get3A_16, %get3A_17] : memref<128x128xf32, #tpu.memory_space<vmem>>, vector<128x128xf32>
    %dot_general3A_19 = arith.constant dense<0.000000e+00> : vector<3200x128xf32>
    %dot_general3A_20 = tpu.matmul %max3A_15, %get3A_18, %dot_general3A_19 {dimension_numbers = #tpu.dot_dimension_numbers<[1], [0], [0], [1], [0, 0, 1, 1], [], []>, transpose_lhs_hint = false} : vector<3200x128xf32>, vector<128x128xf32>, vector<3200x128xf32> -> vector<3200x128xf32>
    %get3A_21 = arith.constant 0 : index
    %get3A_22 = arith.constant 0 : index
    %get3A_23 = vector.load %arg6[%get3A_21, %get3A_22] : memref<1x128xf32, #tpu.memory_space<vmem>>, vector<1x128xf32>
    %add3A_24 = vector.broadcast %get3A_23 : vector<1x128xf32> to vector<3200x128xf32>
    %add3A_25 = arith.addf %dot_general3A_20, %add3A_24 : vector<3200x128xf32>
    %swap3A = arith.constant 0 : index
    %swap3A_26 = arith.constant 0 : index
    %swap3A_27 = vector.load %arg7[%swap3A, %swap3A_26] : memref<3200x128xf32, #tpu.memory_space<vmem>>, vector<3200x128xf32>
    tpu.vector_store %arg7[%swap3A, %swap3A_26], %add3A_25 {strides = array<i32>} : memref<3200x128xf32, #tpu.memory_space<vmem>>, vector<3200x128xf32>,
    return
  }
  func.func @transform_0(%arg0: i32) -> (i32, i32) {
    %c0_i32 = arith.constant 0 : i32
    %c0_i32_0 = arith.constant 0 : i32
    return %arg0, %c0_i32 : i32, i32
  }
  func.func @transform_1(%arg0: i32) -> (i32, i32) {
    %c0_i32 = arith.constant 0 : i32
    %c0_i32_0 = arith.constant 0 : i32
    return %arg0, %c0_i32 : i32, i32
  }
  func.func @transform_2(%arg0: i32) -> (i32, i32) {
    %c0_i32 = arith.constant 0 : i32
    %c0_i32_0 = arith.constant 0 : i32
    %c0_i32_1 = arith.constant 0 : i32
    return %c0_i32, %c0_i32_0 : i32, i32
  }
  func.func @transform_3(%arg0: i32) -> (i32, i32) {
    %c0_i32 = arith.constant 0 : i32
    %c0_i32_0 = arith.constant 0 : i32
    %c0_i32_1 = arith.constant 0 : i32
    return %c0_i32, %c0_i32_0 : i32, i32
  }
  func.func @transform_4(%arg0: i32) -> (i32, i32) {
    %c0_i32 = arith.constant 0 : i32
    %c0_i32_0 = arith.constant 0 : i32
    %c0_i32_1 = arith.constant 0 : i32
    return %c0_i32, %c0_i32_0 : i32, i32
  }
  func.func @transform_5(%arg0: i32) -> (i32, i32) {
    %c0_i32 = arith.constant 0 : i32
    %c0_i32_0 = arith.constant 0 : i32
    %c0_i32_1 = arith.constant 0 : i32
    return %c0_i32, %c0_i32_0 : i32, i32
  }
  func.func @transform_6(%arg0: i32) -> (i32, i32) {
    %c0_i32 = arith.constant 0 : i32
    %c0_i32_0 = arith.constant 0 : i32
    return %arg0, %c0_i32 : i32, i32
  }
}

module attributes {stable_mosaic.version = 14 : i64} {
  func.func @_gru_body(%arg0: i32, %arg1: memref<1x2000x128xf32, #tpu.memory_space<vmem>>, %arg2: memref<1x2000x128xf32, #tpu.memory_space<vmem>>, %arg3: memref<2000x128xf32, #tpu.memory_space<vmem>>, %arg4: memref<128x384xf32, #tpu.memory_space<vmem>>, %arg5: memref<128x384xf32, #tpu.memory_space<vmem>>, %arg6: memref<1x384xf32, #tpu.memory_space<vmem>>, %arg7: memref<1x384xf32, #tpu.memory_space<vmem>>, %arg8: memref<2000x128xf32, #tpu.memory_space<vmem>>) attributes {dimension_semantics = [#tpu.dimension_semantics<arbitrary>], iteration_bounds = array<i64: 5>, scalar_prefetch = 0 : i64, scratch_operands = 0 : i64, tpu.core_type = #tpu.core_type<tc>, window_params = [{transform_indices = @transform_0, window_bounds = array<i64: 1, 2000, 128>}, {transform_indices = @transform_1, window_bounds = array<i64: 1, 2000, 128>}, {transform_indices = @transform_2, window_bounds = array<i64: 2000, 128>}, {pipeline_mode = #tpu.pipeline_mode<synchronous>, transform_indices = @transform_3, window_bounds = array<i64: 128, 384>}, {pipeline_mode = #tpu.pipeline_mode<synchronous>, transform_indices = @transform_4, window_bounds = array<i64: 128, 384>}, {pipeline_mode = #tpu.pipeline_mode<synchronous>, transform_indices = @transform_5, window_bounds = array<i64: 1, 384>}, {pipeline_mode = #tpu.pipeline_mode<synchronous>, transform_indices = @transform_6, window_bounds = array<i64: 1, 384>}, {transform_indices = @transform_7, window_bounds = array<i64: 2000, 128>}]} {
    %get3A = arith.constant 0 : index
    %get3A_0 = arith.constant 0 : index
    %get3A_1 = arith.constant 0 : index
    %get3A_2 = vector.load %arg1[%get3A, %get3A_0, %get3A_1] : memref<1x2000x128xf32, #tpu.memory_space<vmem>>, vector<1x2000x128xf32>
    %get3A_3 = vector.shape_cast %get3A_2 : vector<1x2000x128xf32> to vector<2000x128xf32>
    %get3A_4 = arith.constant 0 : index
    %get3A_5 = arith.constant 0 : index
    %get3A_6 = arith.constant 0 : index
    %get3A_7 = vector.load %arg2[%get3A_4, %get3A_5, %get3A_6] : memref<1x2000x128xf32, #tpu.memory_space<vmem>>, vector<1x2000x128xf32>
    %get3A_8 = vector.shape_cast %get3A_7 : vector<1x2000x128xf32> to vector<2000x128xf32>
    %add3A = arith.addf %get3A_3, %get3A_8 : vector<2000x128xf32>
    %get3A_9 = arith.constant 0 : index
    %get3A_10 = arith.constant 0 : index
    %get3A_11 = vector.load %arg3[%get3A_9, %get3A_10] : memref<2000x128xf32, #tpu.memory_space<vmem>>, vector<2000x128xf32>
    %get3A_12 = arith.constant 0 : index
    %get3A_13 = arith.constant 0 : index
    %get3A_14 = vector.load %arg4[%get3A_12, %get3A_13] : memref<128x384xf32, #tpu.memory_space<vmem>>, vector<128x384xf32>
    %dot_general3A = arith.constant dense<0.000000e+00> : vector<2000x384xf32>
    %dot_general3A_15 = tpu.matmul %add3A, %get3A_14, %dot_general3A {dimension_numbers = #tpu.dot_dimension_numbers<[1], [0], [0], [1], [0, 0, 1, 1], [], []>, transpose_lhs_hint = false} : vector<2000x128xf32>, vector<128x384xf32>, vector<2000x384xf32> -> vector<2000x384xf32>
    %get3A_16 = arith.constant 0 : index
    %get3A_17 = arith.constant 0 : index
    %get3A_18 = vector.load %arg6[%get3A_16, %get3A_17] : memref<1x384xf32, #tpu.memory_space<vmem>>, vector<1x384xf32>
    %add3A_19 = vector.broadcast %get3A_18 : vector<1x384xf32> to vector<2000x384xf32>
    %add3A_20 = arith.addf %dot_general3A_15, %add3A_19 : vector<2000x384xf32>
    %get3A_21 = arith.constant 0 : index
    %get3A_22 = arith.constant 0 : index
    %get3A_23 = vector.load %arg5[%get3A_21, %get3A_22] : memref<128x384xf32, #tpu.memory_space<vmem>>, vector<128x384xf32>
    %dot_general3A_24 = arith.constant dense<0.000000e+00> : vector<2000x384xf32>
    %dot_general3A_25 = tpu.matmul %get3A_11, %get3A_23, %dot_general3A_24 {dimension_numbers = #tpu.dot_dimension_numbers<[1], [0], [0], [1], [0, 0, 1, 1], [], []>, transpose_lhs_hint = false} : vector<2000x128xf32>, vector<128x384xf32>, vector<2000x384xf32> -> vector<2000x384xf32>
    %get3A_26 = arith.constant 0 : index
    %get3A_27 = arith.constant 0 : index
    %get3A_28 = vector.load %arg7[%get3A_26, %get3A_27] : memref<1x384xf32, #tpu.memory_space<vmem>>, vector<1x384xf32>
    %add3A_29 = vector.broadcast %get3A_28 : vector<1x384xf32> to vector<2000x384xf32>
    %add3A_30 = arith.addf %dot_general3A_25, %add3A_29 : vector<2000x384xf32>
    %slice3A = vector.extract_strided_slice %add3A_20 {offsets = [0, 0], sizes = [2000, 128], strides = [1, 1]} : vector<2000x384xf32> to vector<2000x128xf32>
    %slice3A_31 = vector.extract_strided_slice %add3A_30 {offsets = [0, 0], sizes = [2000, 128], strides = [1, 1]} : vector<2000x384xf32> to vector<2000x128xf32>
    %add3A_32 = arith.addf %slice3A, %slice3A_31 : vector<2000x128xf32>
    %logistic3A = arith.negf %add3A_32 : vector<2000x128xf32>
    %logistic3A_33 = math.exp %logistic3A : vector<2000x128xf32>
    %logistic3A_34 = arith.constant 1.000000e+00 : f32
    %logistic3A_35 = vector.broadcast %logistic3A_34 : f32 to vector<2000x128xf32>
    %logistic3A_36 = arith.addf %logistic3A_35, %logistic3A_33 : vector<2000x128xf32>
    %logistic3A_37 = arith.divf %logistic3A_35, %logistic3A_36 : vector<2000x128xf32>
    %slice3A_38 = vector.extract_strided_slice %add3A_20 {offsets = [0, 128], sizes = [2000, 128], strides = [1, 1]} : vector<2000x384xf32> to vector<2000x128xf32>
    %slice3A_39 = vector.extract_strided_slice %add3A_30 {offsets = [0, 128], sizes = [2000, 128], strides = [1, 1]} : vector<2000x384xf32> to vector<2000x128xf32>
    %add3A_40 = arith.addf %slice3A_38, %slice3A_39 : vector<2000x128xf32>
    %logistic3A_41 = arith.negf %add3A_40 : vector<2000x128xf32>
    %logistic3A_42 = math.exp %logistic3A_41 : vector<2000x128xf32>
    %logistic3A_43 = arith.constant 1.000000e+00 : f32
    %logistic3A_44 = vector.broadcast %logistic3A_43 : f32 to vector<2000x128xf32>
    %logistic3A_45 = arith.addf %logistic3A_44, %logistic3A_42 : vector<2000x128xf32>
    %logistic3A_46 = arith.divf %logistic3A_44, %logistic3A_45 : vector<2000x128xf32>
    %slice3A_47 = vector.extract_strided_slice %add3A_20 {offsets = [0, 256], sizes = [2000, 128], strides = [1, 1]} : vector<2000x384xf32> to vector<2000x128xf32>
    %slice3A_48 = vector.extract_strided_slice %add3A_30 {offsets = [0, 256], sizes = [2000, 128], strides = [1, 1]} : vector<2000x384xf32> to vector<2000x128xf32>
    %mul3A = arith.mulf %logistic3A_37, %slice3A_48 : vector<2000x128xf32>
    %add3A_49 = arith.addf %slice3A_47, %mul3A : vector<2000x128xf32>
    %tanh3A = math.tanh %add3A_49 : vector<2000x128xf32>
    %sub3A = arith.constant 1.000000e+00 : f32
    %sub3A_50 = vector.broadcast %sub3A : f32 to vector<2000x128xf32>
    %sub3A_51 = arith.subf %sub3A_50, %logistic3A_46 : vector<2000x128xf32>
    %mul3A_52 = arith.mulf %sub3A_51, %tanh3A : vector<2000x128xf32>
    %mul3A_53 = arith.mulf %logistic3A_46, %get3A_11 : vector<2000x128xf32>
    %add3A_54 = arith.addf %mul3A_52, %mul3A_53 : vector<2000x128xf32>
    %swap3A = arith.constant 0 : index
    %swap3A_55 = arith.constant 0 : index
    %swap3A_56 = vector.load %arg8[%swap3A, %swap3A_55] : memref<2000x128xf32, #tpu.memory_space<vmem>>, vector<2000x128xf32>
    tpu.vector_store %arg8[%swap3A, %swap3A_55], %add3A_54 {strides = array<i32>} : memref<2000x128xf32, #tpu.memory_space<vmem>>, vector<2000x128xf32>,
    return
  }
  func.func @transform_0(%arg0: i32) -> (i32, i32, i32) {
    %c0_i32 = arith.constant 0 : i32
    %c0_i32_0 = arith.constant 0 : i32
    %c0_i32_1 = arith.constant 0 : i32
    return %c0_i32, %arg0, %c0_i32_0 : i32, i32, i32
  }
  func.func @transform_1(%arg0: i32) -> (i32, i32, i32) {
    %c1_i32 = arith.constant 1 : i32
    %c0_i32 = arith.constant 0 : i32
    %c0_i32_0 = arith.constant 0 : i32
    return %c1_i32, %arg0, %c0_i32 : i32, i32, i32
  }
  func.func @transform_2(%arg0: i32) -> (i32, i32) {
    %c0_i32 = arith.constant 0 : i32
    %c0_i32_0 = arith.constant 0 : i32
    return %arg0, %c0_i32 : i32, i32
  }
  func.func @transform_3(%arg0: i32) -> (i32, i32) {
    %c0_i32 = arith.constant 0 : i32
    %c0_i32_0 = arith.constant 0 : i32
    %c0_i32_1 = arith.constant 0 : i32
    return %c0_i32, %c0_i32_0 : i32, i32
  }
  func.func @transform_4(%arg0: i32) -> (i32, i32) {
    %c0_i32 = arith.constant 0 : i32
    %c0_i32_0 = arith.constant 0 : i32
    %c0_i32_1 = arith.constant 0 : i32
    return %c0_i32, %c0_i32_0 : i32, i32
  }
  func.func @transform_5(%arg0: i32) -> (i32, i32) {
    %c0_i32 = arith.constant 0 : i32
    %c0_i32_0 = arith.constant 0 : i32
    %c0_i32_1 = arith.constant 0 : i32
    return %c0_i32, %c0_i32_0 : i32, i32
  }
  func.func @transform_6(%arg0: i32) -> (i32, i32) {
    %c0_i32 = arith.constant 0 : i32
    %c0_i32_0 = arith.constant 0 : i32
    %c0_i32_1 = arith.constant 0 : i32
    return %c0_i32, %c0_i32_0 : i32, i32
  }
  func.func @transform_7(%arg0: i32) -> (i32, i32) {
    %c0_i32 = arith.constant 0 : i32
    %c0_i32_0 = arith.constant 0 : i32
    return %arg0, %c0_i32 : i32, i32
  }
}

</mosaic_0001>

<sc_bundles>
// kernel: kernel.10.cloned.1.call-start
scs
__scs_entry_jumppad:
0x0: {  	(pc) =	sbr.rel $0x88, $3  }
0x1: {  	(tag) =	ssettag $0x0;
	lr =	simm.s32 $0x1  }
0x2: {  	[smem:$0x3F96] =	sst lr;
	_ =	strace $0xD0000000  }
0x3: {  	_ = 	snop  }
0x4: {  	_ = 	snop  }
0x5: {  	_ = 	snop  }
0x6: {  	_ = 	snop  }
0x7: {  	_ = 	snop  }
__scs_overlays_trampoline_lowered:
0x8: {  	[smem:$0x3FA5] =	sst s0  }
0x9: {  	[smem:$0x3FA6] =	sst s1  }
0xa: {  	[smem:$0x3FA7] =	sst s2  }
0xb: {  	[smem:$0x3FA8] =	sst s3  }
0xc: {  	[smem:$0x3FA9] =	sst s4  }
0xd: {  	[smem:$0x3FAA] =	sst s5  }
0xe: {  	[smem:$0x3FAB] =	sst s6  }
0xf: {  	[smem:$0x3FAC] =	sst s7  }
0x10: {  	[smem:$0x3FAD] =	sst s8  }
0x11: {  	[smem:$0x3FAE] =	sst s9;
	s0 =	simm.s32 @!p0 $0x0  }
0x12: {  	s1 =	sld [smem:$0x3F94];
	s0 =	simm.s32 @p0 $0x1  }
0x13: {  	[smem:$0x3FAF] =	sst s0;
	s0 =	simm.s32 @!p1 $0x0  }
0x14: {  	s2 =	sld [smem:$0x3F93];
	s0 =	simm.s32 @p1 $0x1  }
0x15: {  	[smem:$0x3FB0] =	sst s0;
	s0 =	simm.s32 @!p2 $0x0  }
0x16: {  	s3 =	sld [smem:$0x3FDB];
	s0 =	simm.s32 @p2 $0x1  }
0x17: {  	s4 =	simm.s32 $0x1BF5;
	[smem:$0x3FB2] =	sst s0  }
0x18: {  	s0 =	sld [smem:$0x3F95];
	_ =	swait.ge [sflag:s4], $0x0  }
0x19: {  	s7 =	sld [smem:$0x3F96]  }
0x1a: {  	s8 =	sadd.s32 $0xFFFFE003, lr  }
0x1b: {  	s9 =	sadd.s32 $0xFFFFFEF7, lr;
	s5 =	simm.s32 $0xFFFFFFFF;
	p2 =	slt.u32 s8, $0xFFFFF086  }
0x1c: {  	p1 =	slt.u32 s9, $0xF7A;
	s5 =	simm.s32 @!p2 $0x0  }
0x1d: {  	s5 =	simm.s32 @p1 $0x1;
	p0 =	seq.s32 s7, s2  }
0x1e: {  	s7 =	smul.u32 @!p0 $0xF7A, s2;
	p2 =	seq.s32 @!p0 s5, $0x0  }
0x1f: {  	s9 =	smul.u32 $0xF7A, s1;
	s8 =	simm.s32 @!p0 $0x1BF5;
	p2 =	por !p2, p0  }
0x20: {  	[sflag:s8] =	ssyncset.s32 @!p0 $0xFFFFF086;
	s6 =	sadd.s32 @!p0 s3, s7;
	s7 =	simm.s32 @!p0 $0x108  }
0x21: {  	s3 =	sadd.s32 s3, s9;
	s6 =	sadd.s32 @!p0 $0x88, s6;
	s7 =	simm.s32 @p2 $0x1082  }
0x22: {  	[simem:s7], [sflag:s8] =	dma.local @!p0 [hbm:s6], $0xF7A  }
0x23: {  	s9 =	sor.u32 $0xD0000000, s2;
	s6 =	simm.s32 $0x108;
	_ =	swait.ge @!p0 [sflag:s8], $0x0  }
0x24: {  	s3 =	sadd.s32 $0x88, s3;
	s6 =	simm.s32 @!p1 $0x1082;
	[sflag:s4] =	ssyncset.s32 $0xFFFFF086  }
0x25: {  	[simem:s6], [sflag:s4] =	dma.local [hbm:s3], $0xF7A  }
0x26: {  	[smem:$0x3F96] =	sst s1;
	(tag) =	ssettag s2;
	_ =	strace s9  }
0x27: {  	s1 =	sld [smem:$0x3FA6]  }
0x28: {  	s2 =	sld [smem:$0x3FA7]  }
0x29: {  	s4 =	sld [smem:$0x3FA9]  }
0x2a: {  	p0 =	seq.s32 s5, $0x0;
	s5 =	sld [smem:$0x3FAA]  }
0x2b: {  	s6 =	sld [smem:$0x3FAB]  }
0x2c: {  	s7 =	sld [smem:$0x3FAC]  }
0x2d: {  	s3 =	simm.s32 $0x108;
	s8 =	sld [smem:$0x3FAD]  }
0x2e: {  	s3 =	simm.s32 @!p0 $0x1082;
	s9 =	sld [smem:$0x3FAE]  }
0x2f: {  	lr =	sadd.s32 s0, s3;
	s0 =	sld [smem:$0x3FA5]  }
0x30: {  	s3 =	sld [smem:$0x3FA8]  }
0x31: {  	[smem:$0x3FB1] =	sst s10  }
0x32: {  	s10 =	sld [smem:$0x3FAF];
	_ =	sdelay $0x3  }
0x33: {  	p0 =	seq.s32 s10, $0x1;
	s10 =	sld [smem:$0x3FB1];
	_ =	sdelay $0x3  }
0x34: {  	[smem:$0x3FB1] =	sst s10  }
0x35: {  	s10 =	sld [smem:$0x3FB0];
	_ =	sdelay $0x3  }
0x36: {  	p1 =	seq.s32 s10, $0x1;
	s10 =	sld [smem:$0x3FB1];
	_ =	sdelay $0x3  }
0x37: {  	[smem:$0x3FB1] =	sst s10  }
0x38: {  	s10 =	sld [smem:$0x3FB2]  }
0x39: {  	_ = 	snop;
	(pc) =	sbr.ind lr, $3  }
0x3a: {  	_ = 	snop  }
0x3b: {  	_ = 	snop  }
0x3c: {  	p2 =	seq.s32 s10, $0x1;
	s10 =	sld [smem:$0x3FB1]  }
0x3d: {  	_ =	shalt  }
0x3e: {  	_ =	shalt  }
0x3f: {  	_ =	shalt  }
0x40: {  	_ =	shalt  }
0x41: {  	_ =	shalt  }
0x42: {  	_ =	shalt  }
0x43: {  	_ =	shalt  }
0x44: {  	_ =	shalt  }
0x45: {  	_ =	shalt  }
0x46: {  	_ =	shalt  }
0x47: {  	_ =	shalt  }
0x48: {  	_ =	shalt  }
0x49: {  	_ =	shalt  }
0x4a: {  	_ =	shalt  }
0x4b: {  	_ =	shalt  }
0x4c: {  	_ =	shalt  }
0x4d: {  	_ =	shalt  }
0x4e: {  	_ =	shalt  }
0x4f: {  	_ =	shalt  }
0x50: {  	_ =	shalt  }
0x51: {  	_ =	shalt  }
0x52: {  	_ =	shalt  }
0x53: {  	_ =	shalt  }
0x54: {  	_ =	shalt  }
0x55: {  	_ =	shalt  }
0x56: {  	_ =	shalt  }
0x57: {  	_ =	shalt  }
0x58: {  	_ =	shalt  }
0x59: {  	_ =	shalt  }
0x5a: {  	_ =	shalt  }
0x5b: {  	_ =	shalt  }
0x5c: {  	_ =	shalt  }
0x5d: {  	_ =	shalt  }
0x5e: {  	_ =	shalt  }
0x5f: {  	_ =	shalt  }
0x60: {  	_ =	shalt  }
0x61: {  	_ =	shalt  }
0x62: {  	_ =	shalt  }
0x63: {  	_ =	shalt  }
0x64: {  	_ =	shalt  }
0x65: {  	_ =	shalt  }
0x66: {  	_ =	shalt  }
0x67: {  	_ =	shalt  }
0x68: {  	_ =	shalt  }
0x69: {  	_ =	shalt  }
0x6a: {  	_ =	shalt  }
0x6b: {  	_ =	shalt  }
0x6c: {  	_ =	shalt  }
0x6d: {  	_ =	shalt  }
0x6e: {  	_ =	shalt  }
0x6f: {  	_ =	shalt  }
0x70: {  	_ =	shalt  }
0x71: {  	_ =	shalt  }
0x72: {  	_ =	shalt  }
0x73: {  	_ =	shalt  }
0x74: {  	_ =	shalt  }
0x75: {  	_ =	shalt  }
0x76: {  	_ =	shalt  }
0x77: {  	_ =	shalt  }
0x78: {  	_ =	shalt  }
0x79: {  	_ =	shalt  }
0x7a: {  	_ =	shalt  }
0x7b: {  	_ =	shalt  }
0x7c: {  	_ =	shalt  }
0x7d: {  	_ =	shalt  }
0x7e: {  	_ =	shalt  }
0x7f: {  	_ =	shalt  }
0x80: {  	_ =	shalt  }
0x81: {  	_ =	shalt  }
0x82: {  	_ =	shalt  }
0x83: {  	_ =	shalt  }
0x84: {  	_ =	shalt  }
0x85: {  	_ =	shalt  }
0x86: {  	_ =	shalt  }
0x87: {  	_ =	shalt  }
.Lfunc_end0:
.L_simem_size_0:
called_computation.1_lowered:
.L_overlay_start_0:
0x88: {  	s2 =	sld [smem:$0x3FD9]  }
0x89: {  	s3 =	sld [smem:$0x3FFE];
	_ =	sdelay $0x1  }
0x8a: {  	s1 =	srdreg.scid  }
0x8b: {  	s0 =	sand.u32 $0x1, s1  }
0x8c: {  	s16 =	sshll.u32 s0, $0xA;
	s2 =	sadd.s32 s3, s2  }
0x8d: {  	s2 =	sadd.s32 s2, s16  }
0x8e: {  	[smem:$0x3FBD] =	sst s2  }
0x8f: {  	_ = 	snop  }
0x90: {  	(tm) =	ssettm $0x1  }
0x91: {  	s17 =	sld [smem:$0x3FFB];
	_ =	sdelay $0x3  }
0x92: {  	_ =	strace s17  }
0x93: {  	s2 =	sld [smem:$0x3FFC];
	_ =	sdelay $0x3  }
0x94: {  	_ =	strace s2  }
0x95: {  	s2 =	sld [smem:$0x3FFD];
	_ =	sdelay $0x3  }
0x96: {  	_ =	strace s2  }
0x97: {  	_ =	strace $0x8FFFFFFF  }
0x98: {  	s18 =	sld [smem:$0x3FDB];
	_ =	sdelay $0x1  }
0x99: {  	s19 =	simm.s32 $_scs_section_size  }
0x9a: {  	s4 =	simm.s32 $_size__tile_overlayer_lowered;
	s5 =	simm.s32 $_tile_overlayer_lowered  }
0x9b: {  	s22 =	simm.s32 $0x1BFF;
	s21 =	sshll.u32 s5, $0x1;
	s2 =	sadd.s32 s19, s18  }
0x9c: {  	s6 =	simm.s32 $0x0;
	s20 =	sshll.u32 s4, $0x1;
	s4 =	sadd.s32 s21, s2  }
0x9d: {  	[timem:s6], [sflag:s22] =	dma.local [hbm:s4], s20  }
0x9e: {  	_ =	swait.ge [sflag:s22], s20  }
0x9f: {  	s3 =	ssub.s32 $0x0, s20;
	[sflag:s22] =	ssyncset.done $0x0  }
0xa0: {  	[sflag:s22] =	ssyncadd.s32 s3;
	_ =	sdelay $0x1  }
0xa1: {  	s23 =	simm.s32 $0x1B8B  }
0xa2: {  	_ =	swait.ge [sflag:s23], $0x1  }
0xa3: {  	[sflag:s23] =	ssyncset.done $0x0  }
0xa4: {  	s25 =	simm.s32 $0x1B8E;
	s24 =	sld [smem:$0x3FFE];
	[sflag:s23] =	ssyncadd.s32 $0xFFFFFFFF  }
0xa5: {  	s26 =	simm.s32 $execute0_lowered;
	[smem:$0x3FD2] =	sst s25  }
0xa6: {  	s4 =	sshll.u32 s26, $0x1;
	_ =	strace $0x80000049;
	[dreg:$0x1] =	wrdreg $0xFFFFFFFF  }
0xa7: {  	s28 =	simm.s32 $_size_execute0_lowered;
	s2 =	sadd.s32 s2, s4;
	[dreg:$0x0] =	wrdreg $0x0  }
0xa8: {  	s4 =	sshll.u32 s28, $0x1;
	[dreg:$0x2] =	wrdreg s2  }
0xa9: {  	[dreg:$0x3] =	wrdreg s4  }
0xaa: {  	[dreg:$0x4] =	wrdreg $0xC0  }
0xab: {  	_ =	task [dreg:s6], $0x5FFFF  }
0xac: {  	[dreg:$0x1] =	wrdreg $0xFFFFFFFF  }
0xad: {  	[dreg:$0x0] =	wrdreg $0x60  }
0xae: {  	[dreg:$0x2] =	wrdreg s24  }
0xaf: {  	[dreg:$0x3] =	wrdreg $0x50800  }
0xb0: {  	[dreg:$0x4] =	wrdreg $0x9  }
0xb1: {  	_ =	task.clear_ibuf [dreg:s6], $0x5FFFF;
	_ =	strace $0x90000049  }
0xb2: {  	s29 =	simm.s32 $0x9;
	_ =	strace $0x8000004B  }
0xb3: {  	_ =	swait.ge [sflag:s29], $0x1  }
0xb4: {  	[sflag:s29] =	ssyncadd.s32 $0xFFFFFFFF  }
0xb5: {  	_ =	strace $0x9000004B  }
0xb6: {  	_ =	sfence  }
0xb7: {  	s30 =	sld [smem:$0x0];
	_ =	sdelay $0x2  }
0xb8: {  	s31 =	sshll.u32 s1, $0xD;
	s1 =	sshrl.u32 s1, $0x2  }
0xb9: {  	s3 =	sand.u32 $0x4000, s31;
	s1 =	sadd.s32 s1, s30  }
0xba: {  	s0 =	sor.u32 s3, s0;
	s1 =	sshll.u32 s1, $0x11  }
0xbb: {  	s0 =	sor.u32 s1, s0  }
0xbc: {  	s0 =	sadd.s32 $0x8F2B, s0  }
0xbd: {  	[sflag:s0] =	ssyncadd.remote.s32 $0x1  }
0xbe: {  	_ =	sfence.sel $0xFFFF  }
0xbf: {  	[dreg:$0x0] =	wrdreg $0xFFFFFFFF;
	(pc) =	sbr.abs _section_cstart, $3  }
0xc0: {  	[dreg:$0x1] =	wrdreg $0xFFFFFFFF  }
0xc1: {  	_ =	task.clear_ibuf [dreg:s6], $0x2FFFF;
	_ =	strace $0x9FFFFFFF  }
0xc2: {  	(tm) =	ssettm $0x7FFFFFFF  }
0xc3: {  	_ =	shalt  }
tec
execute0_lowered:
.L_overlay_start_1:
0x0: {  	(tag) =	ssettag $0x1  }
0x1: {  	s0 =	stileid.u32  }
0x2: {  	s5 =	smul.u32 $0x4E20, s0  }
0x3: {  	s1 =	srdreg.scid;
	s21 =	smul.u32 $0x4E200, s0  }
0x4: {  	s17 =	sand.u32 $0x1, s1;
	s23 =	smul.u32 $0xA000, s0  }
0x5: {  	s11 =	sor.u32 $0x10, s0;
	s6 =	smul.u32 $0x2710, s17  }
0x6: {  	s12 =	sor.u32 $0x20, s0;
	s7 =	smul.u32 $0xA000, s11  }
0x7: {  	s13 =	sor.u32 $0x30, s0;
	s29 =	smul.u32 $0xA000, s12  }
0x8: {  	s14 =	sor.u32 $0x40, s0;
	s30 =	smul.u32 $0xA000, s13  }
0x9: {  	s15 =	sor.u32 $0x50, s0;
	s8 =	smul.u32 $0xA000, s14  }
0xa: {  	s4 =	rddreg [dreg:$0x0];
	s16 =	sor.u32 $0x60, s0;
	s9 =	smul.u32 $0xA000, s15  }
0xb: {  	s2 =	rddreg [dreg:$0x1];
	s3 =	simm.s32 $0x0;
	s10 =	smul.u32 $0xA000, s16  }
0xc: {  	s28 =	simm.s32 $0x0;
	[smem:$0x7FF] =	sst s3;
	s18 =	smul.u32 $0x138800, s17  }
0xd: {  	s19 =	sadd.s32 $0x15800, s4;
	p0 =	sgt.u32 s0, $0xC;
	s1 =	smul.u32 $0x2800, s12  }
0xe: {  	_ =	strace $0x8000004A;
	s24 =	ssub.s32 $0x2, s17;
	s15 =	smul.u32 $0x2800, s15  }
0xf: {  	s20 =	sadd.s32 s21, s4;
	s25 =	sshrl.u32 s24, $0x1;
	s5 =	sadd.s32 s6, s5  }
0x10: {  	s21 =	ssub.s32 s24, s25;
	s26 =	sshrl.u32 s7, $0x2;
	s6 =	sshrl.u32 s29, $0x2  }
0x11: {  	s7 =	sshrl.u32 s30, $0x2;
	s8 =	sshrl.u32 s8, $0x2;
	s24 =	smul.u32 $0x2800, s0  }
0x12: {  	s9 =	sshrl.u32 s9, $0x2;
	s10 =	sshrl.u32 s10, $0x2;
	s30 =	smul.u32 $0x2800, s13  }
0x13: {  	s5 =	sshrl.u32 s5, $0x3;
	s6 =	sadd.s32 s6, s2;
	s7 =	sadd.s32 s7, s2  }
0x14: {  	s8 =	sadd.s32 s8, s2;
	s9 =	sadd.s32 s9, s2;
	s10 =	sadd.s32 s10, s2  }
0x15: {  	s22 =	sadd.s32 s5, s4;
	s5 =	sshrl.u32 s23, $0x2;
	s23 =	sor.u32 $0x70, s0  }
0x16: {  	s24 =	sadd.s32 s24, s18;
	s4 =	sadd.s32 s5, s2;
	s25 =	smul.u32 $0xA000, s23  }
0x17: {  	s5 =	sadd.s32 s26, s2;
	s26 =	smul.u32 $0x2800, s11;
	s24 =	sshrl.u32 s24, $0x3  }
0x18: {  	s23 =	smul.u32 $0x2800, s23;
	s22 =	sadd.s32 $0xBA00, s22;
	s12 =	sadd.s32 s19, s24  }
0x19: {  	s31 =	sshrl.u32 s25, $0x2;
	s29 =	sadd.s32 s18, s26;
	s25 =	sadd.s32 s18, s1  }
0x1a: {  	s1 =	smul.u32 $0x2800, s14;
	s11 =	sadd.s32 s31, s2;
	s24 =	sshrl.u32 s29, $0x3  }
0x1b: {  	s31 =	sshrl.u32 s25, $0x3;
	s29 =	sadd.s32 s18, s30;
	s30 =	smul.u32 $0x2800, s16  }
0x1c: {  	s13 =	sadd.s32 s19, s24;
	s14 =	sadd.s32 s19, s31;
	s24 =	sshrl.u32 s29, $0x3  }
0x1d: {  	s25 =	sadd.s32 s18, s1;
	s1 =	sadd.s32 s18, s15;
	s29 =	smul.u32 $0x27100, s17  }
0x1e: {  	s31 =	sshrl.u32 s25, $0x3;
	s15 =	sadd.s32 s19, s24;
	s25 =	sshrl.u32 s1, $0x3  }
0x1f: {  	s26 =	sadd.s32 s18, s30;
	s18 =	sadd.s32 s18, s23;
	s24 =	simm.s32 $0x1  }
0x20: {  	s16 =	sadd.s32 s19, s31;
	s17 =	sadd.s32 s19, s25;
	s30 =	sshrl.u32 s26, $0x3  }
0x21: {  	s31 =	sshrl.u32 s18, $0x3;
	s23 =	sadd.s32 s29, s20;
	s20 =	smax.u32 s21, $0x1  }
0x22: {  	s25 =	simm.s32 $0x80;
	s26 =	simm.s32 $0x50;
	s18 =	sadd.s32 s19, s30  }
0x23: {  	v0 =	vimm.f32 $0.0e+00;
	s19 =	sadd.s32 s19, s31;
	s21 =	sadd.s32 $0xA00A00, s23;
	s23 =	simm.s32 $0x2880  }
.LBB2_1:
0x24: {  	s29 =	simm.s32 $0x0;
	s30 =	simm.s32 $0x200  }
.LBB2_2:
0x25: {  	p1 =	sne.s32 s30, $0x9E00;
	[tilespmem:s29+$0x28F0] =	vst v0  }
0x26: {  	[tilespmem:s29+$0x2880] =	vst v0  }
0x27: {  	[tilespmem:s29+$0x2890] =	vst v0  }
.Ltmp0:
0x28: {  	[tilespmem:s29+$0x28A0] =	vst v0;
	(pc) =	sbr.rel @p1 .LBB2_2-.Ltmp0, $4  }
0x29: {  	[tilespmem:s29+$0x28B0] =	vst v0  }
0x2a: {  	[tilespmem:s29+$0x28C0] =	vst v0  }
0x2b: {  	[tilespmem:s29+$0x28D0] =	vst v0  }
0x2c: {  	[tilespmem:s29+$0x28E0] =	vst v0;
	s29 =	sshra.s32 s30, $0x2;
	s30 =	sadd.s32 $0x200, s30  }
0x2d: {  	[tilespmem:s29+$0x28F0] =	vst v0  }
0x2e: {  	[tilespmem:s29+$0x2880] =	vst v0  }
0x2f: {  	[tilespmem:s29+$0x2890] =	vst v0  }
0x30: {  	[tilespmem:s29+$0x28A0] =	vst v0  }
0x31: {  	[tilespmem:s29+$0x28B0] =	vst v0  }
0x32: {  	[tilespmem:s29+$0x28C0] =	vst v0  }
0x33: {  	[tilespmem:s29+$0x28D0] =	vst v0  }
0x34: {  	[tilespmem:s29+$0x28E0] =	vst v0  }
0x35: {  	[spmem:s4] =	stream.linear.scatter [tilespmem:s23], [sflag:$0x1], $0x2800, $0x38;
	[tilespmem:$0x18900] =	vst v63  }
0x36: {  	_ =	swait.ge [sflag:s24], $0x2800  }
0x37: {  	[sflag:s24] =	ssyncset.done $0x0  }
0x38: {  	[sflag:s24] =	ssyncadd.s32 $0xFFFFD800  }
0x39: {  	[spmem:s5] =	stream.linear.scatter [tilespmem:s23], [sflag:$0x1], $0x2800, $0x38;
	[tilespmem:$0x18900] =	vst v63  }
0x3a: {  	_ =	swait.ge [sflag:s24], $0x2800  }
0x3b: {  	[sflag:s24] =	ssyncset.done $0x0  }
0x3c: {  	[sflag:s24] =	ssyncadd.s32 $0xFFFFD800  }
0x3d: {  	[spmem:s6] =	stream.linear.scatter [tilespmem:s23], [sflag:$0x1], $0x2800, $0x38;
	[tilespmem:$0x18900] =	vst v63  }
0x3e: {  	_ =	swait.ge [sflag:s24], $0x2800  }
0x3f: {  	[sflag:s24] =	ssyncset.done $0x0  }
0x40: {  	[sflag:s24] =	ssyncadd.s32 $0xFFFFD800  }
0x41: {  	[spmem:s7] =	stream.linear.scatter [tilespmem:s23], [sflag:$0x1], $0x2800, $0x38;
	[tilespmem:$0x18900] =	vst v63  }
0x42: {  	_ =	swait.ge [sflag:s24], $0x2800  }
0x43: {  	[sflag:s24] =	ssyncset.done $0x0  }
0x44: {  	[sflag:s24] =	ssyncadd.s32 $0xFFFFD800  }
0x45: {  	[spmem:s8] =	stream.linear.scatter [tilespmem:s23], [sflag:$0x1], $0x2800, $0x38;
	[tilespmem:$0x18900] =	vst v63  }
0x46: {  	_ =	swait.ge [sflag:s24], $0x2800  }
0x47: {  	[sflag:s24] =	ssyncset.done $0x0  }
0x48: {  	[sflag:s24] =	ssyncadd.s32 $0xFFFFD800  }
0x49: {  	[spmem:s9] =	stream.linear.scatter [tilespmem:s23], [sflag:$0x1], $0x2800, $0x38;
	[tilespmem:$0x18900] =	vst v63  }
0x4a: {  	_ =	swait.ge [sflag:s24], $0x2800  }
0x4b: {  	[sflag:s24] =	ssyncset.done $0x0  }
0x4c: {  	[sflag:s24] =	ssyncadd.s32 $0xFFFFD800  }
0x4d: {  	[spmem:s10] =	stream.linear.scatter [tilespmem:s23], [sflag:$0x1], $0x2800, $0x38;
	[tilespmem:$0x18900] =	vst v63  }
0x4e: {  	_ =	swait.ge [sflag:s24], $0x2800  }
0x4f: {  	[sflag:s24] =	ssyncset.done $0x0  }
0x50: {  	s29 =	simm.s32 @!p0 $0x2880;
	[sflag:s24] =	ssyncadd.s32 $0xFFFFD800  }
0x51: {  	[spmem:s11] =	stream.linear.scatter @!p0 [tilespmem:s29], [sflag:$0x1], $0x2800, $0x38;
	[tilespmem:$0x18900] =	vst v63  }
0x52: {  	s29 =	simm.s32 @!p0 $0x1  }
0x53: {  	_ =	swait.ge @!p0 [sflag:s29], $0x2800  }
0x54: {  	[sflag:s29] =	ssyncset.done @!p0 $0x0  }
0x55: {  	[sflag:s29] =	ssyncadd.s32 @!p0 $0xFFFFD800  }
0x56: {  	s29 =	sadd.s32 $0x0, s22;
	[bflag:$0x0] =	sbarrier.arrive $0xFFFF  }
0x57: {  	[tilespmem:s3], [sflag:$0x1] =	stream.linear.gather [hbm4b:s29+s3], $0x50, $0x38;
	[tilespmem:$0x18900] =	vst v63  }
0x58: {  	_ =	swait.ge [sflag:s24], $0x50  }
0x59: {  	[sflag:s24] =	ssyncset.done $0x0  }
0x5a: {  	[sflag:s24] =	ssyncadd.s32 $0xFFFFFFB0  }
0x5b: {  	[tilespmem:s25], [sflag:$0x1] =	stream.linear.gather [hbm4b:s21+s3], $0x2800, $0x38;
	[tilespmem:$0x18900] =	vst v63  }
0x5c: {  	_ =	swait.ge [sflag:s24], $0x2800  }
0x5d: {  	[sflag:s24] =	ssyncset.done $0x0  }
0x5e: {  	[sflag:s24] =	ssyncadd.s32 $0xFFFFD800  }
0x5f: {  	[spmem:s2] =	stream.indirect.scatter.add.f32 [tilespmem:s25], [sflag:$0x1], $0x80, s3, s26, $0xb8;
	[tilespmem:$0x18900] =	vst v63  }
0x60: {  	s30 =	simm.s32 $0xA;
	_ =	swait.ge [sflag:s24], $0x2800  }
0x61: {  	s31 =	simm.s32 $0x14;
	s29 =	sadd.s32 $0x500, s21;
	[sflag:s24] =	ssyncset.done $0x0  }
.LBB2_4:
0x62: {  	s1 =	sadd.s32 s30, s22  }
0x63: {  	[sflag:s24] =	ssyncadd.s32 $0xFFFFD800;
	s30 =	smov.u32 s31;
	s0 =	sadd.s32 $0xA, s31  }
0x64: {  	[tilespmem:s3], [sflag:$0x1] =	stream.linear.gather [hbm4b:s1+s3], $0x50, $0x38;
	[tilespmem:$0x18900] =	vst v63  }
0x65: {  	p1 =	sne.s32 s31, $0x4D8;
	_ =	swait.ge [sflag:s24], $0x50  }
0x66: {  	[sflag:s24] =	ssyncset.done $0x0  }
0x67: {  	[sflag:s24] =	ssyncadd.s32 $0xFFFFFFB0  }
0x68: {  	[tilespmem:s25], [sflag:$0x1] =	stream.linear.gather [hbm4b:s29+s3], $0x2800, $0x38;
	[tilespmem:$0x18900] =	vst v63  }
0x69: {  	_ =	swait.ge [sflag:s24], $0x2800  }
.Ltmp1:
0x6a: {  	[sflag:s24] =	ssyncset.done $0x0;
	(pc) =	sbr.rel @p1 .LBB2_4-.Ltmp1, $4  }
0x6b: {  	[sflag:s24] =	ssyncadd.s32 $0xFFFFD800  }
0x6c: {  	[spmem:s2] =	stream.indirect.scatter.add.f32 [tilespmem:s25], [sflag:$0x1], $0x80, s3, s26, $0xb8;
	[tilespmem:$0x18900] =	vst v63  }
0x6d: {  	_ =	swait.ge [sflag:s24], $0x2800  }
0x6e: {  	s31 =	smov.u32 s0;
	s29 =	sadd.s32 $0x500, s29;
	[sflag:s24] =	ssyncset.done $0x0  }
0x6f: {  	s0 =	sadd.s32 s30, s22;
	[sflag:s24] =	ssyncadd.s32 $0xFFFFD800  }
0x70: {  	[tilespmem:s3], [sflag:$0x1] =	stream.linear.gather [hbm4b:s0+s3], $0x50, $0x38;
	[tilespmem:$0x18900] =	vst v63  }
0x71: {  	_ =	swait.ge [sflag:s24], $0x50  }
0x72: {  	[sflag:s24] =	ssyncset.done $0x0  }
0x73: {  	[sflag:s24] =	ssyncadd.s32 $0xFFFFFFB0  }
0x74: {  	[tilespmem:s25], [sflag:$0x1] =	stream.linear.gather [hbm4b:s29+s3], $0x2800, $0x38;
	[tilespmem:$0x18900] =	vst v63  }
0x75: {  	_ =	swait.ge [sflag:s24], $0x2800  }
0x76: {  	[sflag:s24] =	ssyncset.done $0x0  }
0x77: {  	[sflag:s24] =	ssyncadd.s32 $0xFFFFD800  }
0x78: {  	[spmem:s2] =	stream.indirect.scatter.add.f32 [tilespmem:s25], [sflag:$0x1], $0x80, s3, s26, $0xb8;
	[tilespmem:$0x18900] =	vst v63  }
0x79: {  	_ =	swait.ge [sflag:s24], $0x2800  }
0x7a: {  	[sflag:s24] =	ssyncset.done $0x0  }
0x7b: {  	[sflag:s24] =	ssyncadd.s32 $0xFFFFD800  }
0x7c: {  	[bflag:$0x0] =	sbarrier.arrive $0xFFFF  }
0x7d: {  	[tilespmem:s23], [sflag:$0x1] =	stream.linear.gather [spmem:s4], $0x2800, $0x38;
	[tilespmem:$0x18900] =	vst v63  }
0x7e: {  	_ =	swait.ge [sflag:s24], $0x2800  }
0x7f: {  	[sflag:s24] =	ssyncset.done $0x0  }
0x80: {  	[sflag:s24] =	ssyncadd.s32 $0xFFFFD800  }
0x81: {  	[hbm4b:s12+s3] =	stream.linear.scatter [tilespmem:s23], [sflag:$0x1], $0x2800, $0x38;
	[tilespmem:$0x18900] =	vst v63  }
0x82: {  	_ =	swait.ge [sflag:s24], $0x2800  }
0x83: {  	[sflag:s24] =	ssyncset.done $0x0  }
0x84: {  	[sflag:s24] =	ssyncadd.s32 $0xFFFFD800  }
0x85: {  	[tilespmem:s23], [sflag:$0x1] =	stream.linear.gather [spmem:s5], $0x2800, $0x38;
	[tilespmem:$0x18900] =	vst v63  }
0x86: {  	_ =	swait.ge [sflag:s24], $0x2800  }
0x87: {  	[sflag:s24] =	ssyncset.done $0x0  }
0x88: {  	[sflag:s24] =	ssyncadd.s32 $0xFFFFD800  }
0x89: {  	[hbm4b:s13+s3] =	stream.linear.scatter [tilespmem:s23], [sflag:$0x1], $0x2800, $0x38;
	[tilespmem:$0x18900] =	vst v63  }
0x8a: {  	_ =	swait.ge [sflag:s24], $0x2800  }
0x8b: {  	[sflag:s24] =	ssyncset.done $0x0  }
0x8c: {  	[sflag:s24] =	ssyncadd.s32 $0xFFFFD800  }
0x8d: {  	[tilespmem:s23], [sflag:$0x1] =	stream.linear.gather [spmem:s6], $0x2800, $0x38;
	[tilespmem:$0x18900] =	vst v63  }
0x8e: {  	_ =	swait.ge [sflag:s24], $0x2800  }
0x8f: {  	[sflag:s24] =	ssyncset.done $0x0  }
0x90: {  	[sflag:s24] =	ssyncadd.s32 $0xFFFFD800  }
0x91: {  	[hbm4b:s14+s3] =	stream.linear.scatter [tilespmem:s23], [sflag:$0x1], $0x2800, $0x38;
	[tilespmem:$0x18900] =	vst v63  }
0x92: {  	_ =	swait.ge [sflag:s24], $0x2800  }
0x93: {  	[sflag:s24] =	ssyncset.done $0x0  }
0x94: {  	[sflag:s24] =	ssyncadd.s32 $0xFFFFD800  }
0x95: {  	[tilespmem:s23], [sflag:$0x1] =	stream.linear.gather [spmem:s7], $0x2800, $0x38;
	[tilespmem:$0x18900] =	vst v63  }
0x96: {  	_ =	swait.ge [sflag:s24], $0x2800  }
0x97: {  	[sflag:s24] =	ssyncset.done $0x0  }
0x98: {  	[sflag:s24] =	ssyncadd.s32 $0xFFFFD800  }
0x99: {  	[hbm4b:s15+s3] =	stream.linear.scatter [tilespmem:s23], [sflag:$0x1], $0x2800, $0x38;
	[tilespmem:$0x18900] =	vst v63  }
0x9a: {  	_ =	swait.ge [sflag:s24], $0x2800  }
0x9b: {  	[sflag:s24] =	ssyncset.done $0x0  }
0x9c: {  	[sflag:s24] =	ssyncadd.s32 $0xFFFFD800  }
0x9d: {  	[tilespmem:s23], [sflag:$0x1] =	stream.linear.gather [spmem:s8], $0x2800, $0x38;
	[tilespmem:$0x18900] =	vst v63  }
0x9e: {  	_ =	swait.ge [sflag:s24], $0x2800  }
0x9f: {  	[sflag:s24] =	ssyncset.done $0x0  }
0xa0: {  	[sflag:s24] =	ssyncadd.s32 $0xFFFFD800  }
0xa1: {  	[hbm4b:s16+s3] =	stream.linear.scatter [tilespmem:s23], [sflag:$0x1], $0x2800, $0x38;
	[tilespmem:$0x18900] =	vst v63  }
0xa2: {  	_ =	swait.ge [sflag:s24], $0x2800  }
0xa3: {  	[sflag:s24] =	ssyncset.done $0x0  }
0xa4: {  	[sflag:s24] =	ssyncadd.s32 $0xFFFFD800  }
0xa5: {  	[tilespmem:s23], [sflag:$0x1] =	stream.linear.gather [spmem:s9], $0x2800, $0x38;
	[tilespmem:$0x18900] =	vst v63  }
0xa6: {  	_ =	swait.ge [sflag:s24], $0x2800  }
0xa7: {  	[sflag:s24] =	ssyncset.done $0x0  }
0xa8: {  	[sflag:s24] =	ssyncadd.s32 $0xFFFFD800  }
0xa9: {  	[hbm4b:s17+s3] =	stream.linear.scatter [tilespmem:s23], [sflag:$0x1], $0x2800, $0x38;
	[tilespmem:$0x18900] =	vst v63  }
0xaa: {  	_ =	swait.ge [sflag:s24], $0x2800  }
0xab: {  	[sflag:s24] =	ssyncset.done $0x0  }
0xac: {  	[sflag:s24] =	ssyncadd.s32 $0xFFFFD800  }
0xad: {  	[tilespmem:s23], [sflag:$0x1] =	stream.linear.gather [spmem:s10], $0x2800, $0x38;
	[tilespmem:$0x18900] =	vst v63  }
0xae: {  	_ =	swait.ge [sflag:s24], $0x2800  }
0xaf: {  	[sflag:s24] =	ssyncset.done $0x0  }
0xb0: {  	[sflag:s24] =	ssyncadd.s32 $0xFFFFD800  }
0xb1: {  	[hbm4b:s18+s3] =	stream.linear.scatter [tilespmem:s23], [sflag:$0x1], $0x2800, $0x38;
	[tilespmem:$0x18900] =	vst v63  }
0xb2: {  	_ =	swait.ge [sflag:s24], $0x2800  }
0xb3: {  	[sflag:s24] =	ssyncset.done $0x0  }
0xb4: {  	s1 =	simm.s32 @!p0 $0x1;
	s0 =	simm.s32 @!p0 $0x2880;
	[sflag:s24] =	ssyncadd.s32 $0xFFFFD800  }
0xb5: {  	[tilespmem:s0], [sflag:$0x1] =	stream.linear.gather @!p0 [spmem:s11], $0x2800, $0x38;
	[tilespmem:$0x18900] =	vst v63  }
0xb6: {  	s28 =	sadd.s32 $0x1, s28;
	_ =	swait.ge @!p0 [sflag:s1], $0x2800  }
0xb7: {  	p1 =	sne.s32 s28, s20;
	[sflag:s1] =	ssyncset.done @!p0 $0x0  }
.Ltmp2:
0xb8: {  	s29 =	simm.s32 @!p0 $0x0;
	[sflag:s1] =	ssyncadd.s32 @!p0 $0xFFFFD800;
	(pc) =	sbr.rel @p1 .LBB2_1-.Ltmp2, $4  }
0xb9: {  	[hbm4b:s19+s29] =	stream.linear.scatter @!p0 [tilespmem:s0], [sflag:$0x1], $0x2800, $0x38;
	[tilespmem:$0x18900] =	vst v63  }
0xba: {  	_ =	swait.ge @!p0 [sflag:s1], $0x2800  }
0xbb: {  	[sflag:s1] =	ssyncset.done @!p0 $0x0  }
0xbc: {  	[sflag:s1] =	ssyncadd.s32 @!p0 $0xFFFFD800  }
0xbd: {  	_ =	sfence.sel $0x180000  }
0xbe: {  	[bflag:$0x0] =	sbarrier.arrive $0xFFFF  }
0xbf: {  	_ =	strace $0x9000004A  }
0xc0: {  	s0 =	stileid.u32;
	[bflag:$0x2] =	sbarrier.arrive $0xFFFF  }
0xc1: {  	p0 =	sne.s32 s0, $0x0;
	s0 =	rddreg [dreg:$0x2]  }
0xc2: {  	s0 =	sadd.s32 @!p0 $0x100000, s0  }
0xc3: {  	[sflag:s0] =	ssyncadd.tile.s32 @!p0 $0x1;
	_ =	shalt  }
.Lfunc_end2:
_tile_overlayer_lowered:
.L_overlay_start_2:
0xc4: {  	(tag) =	ssettag $0x2  }
0xc5: {  	s0 =	rddreg [dreg:$0x0];
	s2 =	stileid.u32  }
0xc6: {  	s1 =	rddreg [dreg:$0x1];
	p0 =	sne.s32 s2, $0x0  }
0xc7: {  	s3 =	rddreg [dreg:$0x2];
	[bflag:$0x3] =	sbarrier.arrive $0xFFFF;
	s2 =	simm.s32 @!p0 $0x1C01  }
0xc8: {  	[timem:s3], [sflag:s2] =	dma.local @!p0 [hbm:s0], s1  }
0xc9: {  	s0 =	simm.s32 @!p0 $0x1  }
0xca: {  	_ =	swait.ge @!p0 [sflag:s0], s1  }
0xcb: {  	s1 =	ssub.s32 @!p0 $0x0, s1;
	[sflag:s0] =	ssyncset.done @!p0 $0x0  }
0xcc: {  	[sflag:s0] =	ssyncadd.s32 @!p0 s1  }
0xcd: {  	[bflag:$0x3] =	sbarrier.arrive $0xFFFF  }
0xce: {  	_ =	shalt  }

// kernel: kernel.7.cloned.1.call-start
scs
__scs_entry_jumppad:
0x0: {  	(pc) =	sbr.rel $0x88, $3  }
0x1: {  	(tag) =	ssettag $0x0;
	lr =	simm.s32 $0x1  }
0x2: {  	[smem:$0x3F96] =	sst lr;
	_ =	strace $0xD0000000  }
0x3: {  	_ = 	snop  }
0x4: {  	_ = 	snop  }
0x5: {  	_ = 	snop  }
0x6: {  	_ = 	snop  }
0x7: {  	_ = 	snop  }
__scs_overlays_trampoline_lowered:
0x8: {  	[smem:$0x3FA5] =	sst s0  }
0x9: {  	[smem:$0x3FA6] =	sst s1  }
0xa: {  	[smem:$0x3FA7] =	sst s2  }
0xb: {  	[smem:$0x3FA8] =	sst s3  }
0xc: {  	[smem:$0x3FA9] =	sst s4  }
0xd: {  	[smem:$0x3FAA] =	sst s5  }
0xe: {  	[smem:$0x3FAB] =	sst s6  }
0xf: {  	[smem:$0x3FAC] =	sst s7  }
0x10: {  	[smem:$0x3FAD] =	sst s8  }
0x11: {  	[smem:$0x3FAE] =	sst s9;
	s0 =	simm.s32 @!p0 $0x0  }
0x12: {  	s1 =	sld [smem:$0x3F94];
	s0 =	simm.s32 @p0 $0x1  }
0x13: {  	[smem:$0x3FAF] =	sst s0;
	s0 =	simm.s32 @!p1 $0x0  }
0x14: {  	s2 =	sld [smem:$0x3F93];
	s0 =	simm.s32 @p1 $0x1  }
0x15: {  	[smem:$0x3FB0] =	sst s0;
	s0 =	simm.s32 @!p2 $0x0  }
0x16: {  	s3 =	sld [smem:$0x3FDB];
	s0 =	simm.s32 @p2 $0x1  }
0x17: {  	s4 =	simm.s32 $0x1BF5;
	[smem:$0x3FB2] =	sst s0  }
0x18: {  	s0 =	sld [smem:$0x3F95];
	_ =	swait.ge [sflag:s4], $0x0  }
0x19: {  	s7 =	sld [smem:$0x3F96]  }
0x1a: {  	s8 =	sadd.s32 $0xFFFFE003, lr  }
0x1b: {  	s9 =	sadd.s32 $0xFFFFFEF7, lr;
	s5 =	simm.s32 $0xFFFFFFFF;
	p2 =	slt.u32 s8, $0xFFFFF086  }
0x1c: {  	p1 =	slt.u32 s9, $0xF7A;
	s5 =	simm.s32 @!p2 $0x0  }
0x1d: {  	s5 =	simm.s32 @p1 $0x1;
	p0 =	seq.s32 s7, s2  }
0x1e: {  	s7 =	smul.u32 @!p0 $0xF7A, s2;
	p2 =	seq.s32 @!p0 s5, $0x0  }
0x1f: {  	s9 =	smul.u32 $0xF7A, s1;
	s8 =	simm.s32 @!p0 $0x1BF5;
	p2 =	por !p2, p0  }
0x20: {  	[sflag:s8] =	ssyncset.s32 @!p0 $0xFFFFF086;
	s6 =	sadd.s32 @!p0 s3, s7;
	s7 =	simm.s32 @!p0 $0x108  }
0x21: {  	s3 =	sadd.s32 s3, s9;
	s6 =	sadd.s32 @!p0 $0x88, s6;
	s7 =	simm.s32 @p2 $0x1082  }
0x22: {  	[simem:s7], [sflag:s8] =	dma.local @!p0 [hbm:s6], $0xF7A  }
0x23: {  	s9 =	sor.u32 $0xD0000000, s2;
	s6 =	simm.s32 $0x108;
	_ =	swait.ge @!p0 [sflag:s8], $0x0  }
0x24: {  	s3 =	sadd.s32 $0x88, s3;
	s6 =	simm.s32 @!p1 $0x1082;
	[sflag:s4] =	ssyncset.s32 $0xFFFFF086  }
0x25: {  	[simem:s6], [sflag:s4] =	dma.local [hbm:s3], $0xF7A  }
0x26: {  	[smem:$0x3F96] =	sst s1;
	(tag) =	ssettag s2;
	_ =	strace s9  }
0x27: {  	s1 =	sld [smem:$0x3FA6]  }
0x28: {  	s2 =	sld [smem:$0x3FA7]  }
0x29: {  	s4 =	sld [smem:$0x3FA9]  }
0x2a: {  	p0 =	seq.s32 s5, $0x0;
	s5 =	sld [smem:$0x3FAA]  }
0x2b: {  	s6 =	sld [smem:$0x3FAB]  }
0x2c: {  	s7 =	sld [smem:$0x3FAC]  }
0x2d: {  	s3 =	simm.s32 $0x108;
	s8 =	sld [smem:$0x3FAD]  }
0x2e: {  	s3 =	simm.s32 @!p0 $0x1082;
	s9 =	sld [smem:$0x3FAE]  }
0x2f: {  	lr =	sadd.s32 s0, s3;
	s0 =	sld [smem:$0x3FA5]  }
0x30: {  	s3 =	sld [smem:$0x3FA8]  }
0x31: {  	[smem:$0x3FB1] =	sst s10  }
0x32: {  	s10 =	sld [smem:$0x3FAF];
	_ =	sdelay $0x3  }
0x33: {  	p0 =	seq.s32 s10, $0x1;
	s10 =	sld [smem:$0x3FB1];
	_ =	sdelay $0x3  }
0x34: {  	[smem:$0x3FB1] =	sst s10  }
0x35: {  	s10 =	sld [smem:$0x3FB0];
	_ =	sdelay $0x3  }
0x36: {  	p1 =	seq.s32 s10, $0x1;
	s10 =	sld [smem:$0x3FB1];
	_ =	sdelay $0x3  }
0x37: {  	[smem:$0x3FB1] =	sst s10  }
0x38: {  	s10 =	sld [smem:$0x3FB2]  }
0x39: {  	_ = 	snop;
	(pc) =	sbr.ind lr, $3  }
0x3a: {  	_ = 	snop  }
0x3b: {  	_ = 	snop  }
0x3c: {  	p2 =	seq.s32 s10, $0x1;
	s10 =	sld [smem:$0x3FB1]  }
0x3d: {  	_ =	shalt  }
0x3e: {  	_ =	shalt  }
0x3f: {  	_ =	shalt  }
0x40: {  	_ =	shalt  }
0x41: {  	_ =	shalt  }
0x42: {  	_ =	shalt  }
0x43: {  	_ =	shalt  }
0x44: {  	_ =	shalt  }
0x45: {  	_ =	shalt  }
0x46: {  	_ =	shalt  }
0x47: {  	_ =	shalt  }
0x48: {  	_ =	shalt  }
0x49: {  	_ =	shalt  }
0x4a: {  	_ =	shalt  }
0x4b: {  	_ =	shalt  }
0x4c: {  	_ =	shalt  }
0x4d: {  	_ =	shalt  }
0x4e: {  	_ =	shalt  }
0x4f: {  	_ =	shalt  }
0x50: {  	_ =	shalt  }
0x51: {  	_ =	shalt  }
0x52: {  	_ =	shalt  }
0x53: {  	_ =	shalt  }
0x54: {  	_ =	shalt  }
0x55: {  	_ =	shalt  }
0x56: {  	_ =	shalt  }
0x57: {  	_ =	shalt  }
0x58: {  	_ =	shalt  }
0x59: {  	_ =	shalt  }
0x5a: {  	_ =	shalt  }
0x5b: {  	_ =	shalt  }
0x5c: {  	_ =	shalt  }
0x5d: {  	_ =	shalt  }
0x5e: {  	_ =	shalt  }
0x5f: {  	_ =	shalt  }
0x60: {  	_ =	shalt  }
0x61: {  	_ =	shalt  }
0x62: {  	_ =	shalt  }
0x63: {  	_ =	shalt  }
0x64: {  	_ =	shalt  }
0x65: {  	_ =	shalt  }
0x66: {  	_ =	shalt  }
0x67: {  	_ =	shalt  }
0x68: {  	_ =	shalt  }
0x69: {  	_ =	shalt  }
0x6a: {  	_ =	shalt  }
0x6b: {  	_ =	shalt  }
0x6c: {  	_ =	shalt  }
0x6d: {  	_ =	shalt  }
0x6e: {  	_ =	shalt  }
0x6f: {  	_ =	shalt  }
0x70: {  	_ =	shalt  }
0x71: {  	_ =	shalt  }
0x72: {  	_ =	shalt  }
0x73: {  	_ =	shalt  }
0x74: {  	_ =	shalt  }
0x75: {  	_ =	shalt  }
0x76: {  	_ =	shalt  }
0x77: {  	_ =	shalt  }
0x78: {  	_ =	shalt  }
0x79: {  	_ =	shalt  }
0x7a: {  	_ =	shalt  }
0x7b: {  	_ =	shalt  }
0x7c: {  	_ =	shalt  }
0x7d: {  	_ =	shalt  }
0x7e: {  	_ =	shalt  }
0x7f: {  	_ =	shalt  }
0x80: {  	_ =	shalt  }
0x81: {  	_ =	shalt  }
0x82: {  	_ =	shalt  }
0x83: {  	_ =	shalt  }
0x84: {  	_ =	shalt  }
0x85: {  	_ =	shalt  }
0x86: {  	_ =	shalt  }
0x87: {  	_ =	shalt  }
.Lfunc_end0:
.L_simem_size_0:
called_computation_lowered:
.L_overlay_start_0:
0x88: {  	s2 =	sld [smem:$0x3FD9]  }
0x89: {  	s3 =	sld [smem:$0x3FFE];
	_ =	sdelay $0x1  }
0x8a: {  	s1 =	srdreg.scid  }
0x8b: {  	s0 =	sand.u32 $0x1, s1  }
0x8c: {  	s17 =	sshll.u32 s0, $0xA;
	s2 =	sadd.s32 s3, s2  }
0x8d: {  	s2 =	sadd.s32 s2, s17  }
0x8e: {  	[smem:$0x3FBD] =	sst s2  }
0x8f: {  	_ = 	snop  }
0x90: {  	s2 =	sld [smem:$0x3FD0];
	(tm) =	ssettm $0x1  }
0x91: {  	s18 =	sld [smem:$0x3FFB];
	_ =	sdelay $0x3  }
0x92: {  	_ =	strace s18  }
0x93: {  	s3 =	sld [smem:$0x3FFC];
	_ =	sdelay $0x3  }
0x94: {  	_ =	strace s3  }
0x95: {  	s3 =	sld [smem:$0x3FFD];
	_ =	sdelay $0x3  }
0x96: {  	_ =	strace s3  }
0x97: {  	_ =	strace $0x8FFFFFFF  }
0x98: {  	s19 =	sld [smem:$0x3FDB];
	_ =	sdelay $0x1  }
0x99: {  	s4 =	simm.s32 $_scs_section_size  }
0x9a: {  	s5 =	simm.s32 $_size__tile_overlayer_lowered;
	s6 =	simm.s32 $_tile_overlayer_lowered  }
0x9b: {  	s22 =	simm.s32 $0x1BFF;
	s21 =	sshll.u32 s6, $0x1;
	s3 =	sadd.s32 s4, s19  }
0x9c: {  	s7 =	simm.s32 $0x0;
	s20 =	sshll.u32 s5, $0x1;
	s5 =	sadd.s32 s21, s3  }
0x9d: {  	[timem:s7], [sflag:s22] =	dma.local [hbm:s5], s20  }
0x9e: {  	_ =	swait.ge [sflag:s22], s20  }
0x9f: {  	s4 =	ssub.s32 $0x0, s20;
	[sflag:s22] =	ssyncset.done $0x0  }
0xa0: {  	[sflag:s22] =	ssyncadd.s32 s4;
	_ =	sdelay $0x1  }
0xa1: {  	s23 =	simm.s32 $0x1B8B  }
0xa2: {  	_ =	swait.ge [sflag:s23], $0x1  }
0xa3: {  	[sflag:s23] =	ssyncset.done $0x0  }
0xa4: {  	s25 =	simm.s32 $0x1B8E;
	s24 =	sld [smem:$0x3FFE];
	[sflag:s23] =	ssyncadd.s32 $0xFFFFFFFF  }
0xa5: {  	s26 =	simm.s32 $execute0_lowered;
	[smem:$0x3FD2] =	sst s25  }
0xa6: {  	s5 =	sshll.u32 s26, $0x1;
	_ =	strace $0x80000046;
	[dreg:$0x1] =	wrdreg $0xFFFFFFFF  }
0xa7: {  	s28 =	simm.s32 $_size_execute0_lowered;
	s3 =	sadd.s32 s3, s5;
	[dreg:$0x0] =	wrdreg $0x0  }
0xa8: {  	s5 =	sshll.u32 s28, $0x1;
	[dreg:$0x2] =	wrdreg s3  }
0xa9: {  	[dreg:$0x3] =	wrdreg s5  }
0xaa: {  	[dreg:$0x4] =	wrdreg $0xC0  }
0xab: {  	_ =	task [dreg:s7], $0x5FFFF  }
0xac: {  	[dreg:$0x1] =	wrdreg $0xFFFFFFFF  }
0xad: {  	[dreg:$0x0] =	wrdreg $0x60  }
0xae: {  	[dreg:$0x2] =	wrdreg s24  }
0xaf: {  	[dreg:$0x3] =	wrdreg s2  }
0xb0: {  	[dreg:$0x4] =	wrdreg $0x9  }
0xb1: {  	_ =	task.clear_ibuf [dreg:s7], $0x5FFFF;
	_ =	strace $0x90000046  }
0xb2: {  	s29 =	simm.s32 $0x9;
	_ =	strace $0x80000048  }
0xb3: {  	_ =	swait.ge [sflag:s29], $0x1  }
0xb4: {  	[sflag:s29] =	ssyncadd.s32 $0xFFFFFFFF  }
0xb5: {  	_ =	strace $0x90000048  }
0xb6: {  	_ =	sfence  }
0xb7: {  	s30 =	sld [smem:$0x0];
	_ =	sdelay $0x2  }
0xb8: {  	s31 =	sshll.u32 s1, $0xD;
	s1 =	sshrl.u32 s1, $0x2  }
0xb9: {  	s3 =	sand.u32 $0x4000, s31;
	s1 =	sadd.s32 s1, s30  }
0xba: {  	s0 =	sor.u32 s3, s0;
	s1 =	sshll.u32 s1, $0x11  }
0xbb: {  	s0 =	sor.u32 s1, s0  }
0xbc: {  	s0 =	sadd.s32 $0x8F2B, s0  }
0xbd: {  	[sflag:s0] =	ssyncadd.remote.s32 $0x1  }
0xbe: {  	_ =	sfence.sel $0xFFFF  }
0xbf: {  	[dreg:$0x0] =	wrdreg $0xFFFFFFFF;
	(pc) =	sbr.abs _section_cstart, $3  }
0xc0: {  	[dreg:$0x1] =	wrdreg $0xFFFFFFFF  }
0xc1: {  	_ =	task.clear_ibuf [dreg:s7], $0x2FFFF;
	_ =	strace $0x9FFFFFFF  }
0xc2: {  	(tm) =	ssettm $0x7FFFFFFF  }
0xc3: {  	_ =	shalt  }
tec
execute0_lowered:
.L_overlay_start_1:
0x0: {  	(tag) =	ssettag $0x1  }
0x1: {  	s7 =	rddreg [dreg:$0x0]  }
0x2: {  	s1 =	rddreg [dreg:$0x1]  }
0x3: {  	s0 =	rddreg [dreg:$0x2]  }
0x4: {  	s2 =	simm.s32 $0x0;
	s3 =	srdreg.scid;
	s12 =	simm.s32 $0x50  }
0x5: {  	s13 =	simm.s32 $0x100;
	s14 =	simm.s32 $0x2900;
	s15 =	simm.s32 $0x1  }
0x6: {  	s16 =	simm.s32 $0x0;
	[smem:$0x7FF] =	sst s2;
	s4 =	sadd.s32 $0x1C00, s7  }
0x7: {  	s8 =	sand.u32 $0x1, s3;
	s5 =	sadd.s32 $0xBA00, s7;
	s3 =	stileid.u32  }
0x8: {  	s6 =	sadd.s32 $0x15800, s7;
	s7 =	sadd.s32 $0x3CA00, s7;
	s9 =	ssub.s32 $0x2, s8  }
0x9: {  	_ =	strace $0x80000047;
	s11 =	sshll.u32 s3, $0x1;
	s10 =	sshrl.u32 s9, $0x1  }
0xa: {  	s8 =	sor.u32 s8, s11;
	s11 =	simm.s32 $0x80;
	s9 =	ssub.s32 s9, s10  }
0xb: {  	s8 =	smul.u32 $0x2710, s8;
	s10 =	simm.s32 $0x2;
	s9 =	smax.u32 s9, $0x1  }
.LBB2_1:
0xc: {  	s17 =	simm.s32 $0x0  }
.LBB2_2:
0xd: {  	s18 =	smul.u32 $0x50, s17;
	_ =	sdelay $0x1  }
0xe: {  	s18 =	sadd.s32 s8, s18  }
0xf: {  	s19 =	sshrl.u32 s18, $0x3  }
0x10: {  	s21 =	simm.s32 $0x0;
	s20 =	sadd.s32 s4, s19  }
0x11: {  	[tilespmem:s21], [sflag:$0x2] =	stream.linear.gather [hbm4b:s20+s21], $0x50, $0x38;
	[tilespmem:$0x5100] =	vst v63  }
0x12: {  	_ =	swait.ge [sflag:s10], $0x50  }
0x13: {  	[sflag:s10] =	ssyncset.done $0x0  }
0x14: {  	s19 =	sadd.s32 s5, s19;
	[sflag:s10] =	ssyncadd.s32 $0xFFFFFFB0  }
0x15: {  	[tilespmem:s11], [sflag:$0x2] =	stream.linear.gather [hbm4b:s19+s21], $0x50, $0x38;
	[tilespmem:$0x5100] =	vst v63  }
0x16: {  	_ =	swait.ge [sflag:s10], $0x50  }
0x17: {  	[sflag:s10] =	ssyncset.done $0x0  }
0x18: {  	[sflag:s10] =	ssyncadd.s32 $0xFFFFFFB0  }
0x19: {  	[tilespmem:s13], [sflag:$0x1] =	stream.indirect.gather [hbm4b:s1+s12], $0x80, s21, s12, $0xb8;
	[tilespmem:$0x5100] =	vst v63  }
0x1a: {  	_ = 	snop  }
0x1b: {  	[tilespmem:s14], [sflag:$0x1] =	stream.indirect.gather [hbm4b:s6+s12], $0x80, s11, s12, $0xb8;
	[tilespmem:$0x5100] =	vst v63  }
0x1c: {  	_ =	swait.ge [sflag:s15], $0x2800  }
0x1d: {  	[sflag:s15] =	ssyncset.done $0x0  }
0x1e: {  	[sflag:s15] =	ssyncadd.s32 $0xFFFFD800  }
0x1f: {  	_ =	swait.ge [sflag:s15], $0x2800  }
0x20: {  	[sflag:s15] =	ssyncset.done $0x0  }
0x21: {  	s19 =	simm.s32 $0x0;
	[sflag:s15] =	ssyncadd.s32 $0xFFFFD800  }
0x22: {  	v7 =	vld [tilespmem:s19+$0x2900]  }
0x23: {  	v11 =	vld [tilespmem:s19+$0x2910]  }
0x24: {  	v5 =	vld [tilespmem:s19+$0x2920]  }
0x25: {  	v4 =	vld [tilespmem:s19+$0x2930]  }
0x26: {  	v3 =	vld [tilespmem:s19+$0x2940]  }
0x27: {  	v2 =	vld [tilespmem:s19+$0x2950]  }
0x28: {  	v1 =	vld [tilespmem:s19+$0x2960]  }
0x29: {  	v0 =	vld [tilespmem:s19+$0x2970]  }
0x2a: {  	v12 =	vld [tilespmem:s19+$0x100]  }
0x2b: {  	v13 =	vld [tilespmem:s19+$0x110]  }
0x2c: {  	v10 =	vld [tilespmem:s19+$0x120]  }
0x2d: {  	v9 =	vld [tilespmem:s19+$0x130]  }
0x2e: {  	v8 =	vld [tilespmem:s19+$0x140]  }
0x2f: {  	v6 =	vld [tilespmem:s19+$0x150];
	v12 =	vadd.f32 v7, v12  }
0x30: {  	s20 =	simm.s32 $0x200;
	v11 =	vadd.f32 v11, v13;
	v7 =	vld [tilespmem:s19+$0x160]  }
.LBB2_3:
0x31: {  	s21 =	sshra.s32 s20, $0x2;
	p0 =	sne.s32 s20, $0x9E00;
	[tilespmem:s19+$0x100] =	vst v12;
	v5 =	vadd.f32 v5, v10;
	v10 =	vld [tilespmem:s19+$0x170]  }
0x32: {  	v12 =	vld [tilespmem:s21+$0x2900];
	[tilespmem:s19+$0x110] =	vst v11;
	v4 =	vadd.f32 v4, v9  }
0x33: {  	v11 =	vld [tilespmem:s21+$0x2910];
	[tilespmem:s19+$0x120] =	vst v5;
	v3 =	vadd.f32 v3, v8  }
0x34: {  	v5 =	vld [tilespmem:s21+$0x2920];
	[tilespmem:s19+$0x130] =	vst v4;
	v2 =	vadd.f32 v2, v6  }
0x35: {  	v4 =	vld [tilespmem:s21+$0x2930];
	[tilespmem:s19+$0x140] =	vst v3;
	v1 =	vadd.f32 v1, v7  }
0x36: {  	v3 =	vld [tilespmem:s21+$0x2940];
	[tilespmem:s19+$0x150] =	vst v2;
	v0 =	vadd.f32 v0, v10  }
0x37: {  	v2 =	vld [tilespmem:s21+$0x2950];
	[tilespmem:s19+$0x160] =	vst v1  }
0x38: {  	v1 =	vld [tilespmem:s21+$0x2960];
	[tilespmem:s19+$0x170] =	vst v0;
	s19 =	smov.u32 s21  }
0x39: {  	v0 =	vld [tilespmem:s19+$0x2970]  }
0x3a: {  	v6 =	vld [tilespmem:s19+$0x100]  }
0x3b: {  	v7 =	vld [tilespmem:s19+$0x110]  }
.Ltmp0:
0x3c: {  	v10 =	vld [tilespmem:s19+$0x120];
	(pc) =	sbr.rel @p0 .LBB2_3-.Ltmp0, $4  }
0x3d: {  	v9 =	vld [tilespmem:s19+$0x130]  }
0x3e: {  	v8 =	vld [tilespmem:s19+$0x140]  }
0x3f: {  	v12 =	vadd.f32 v12, v6;
	v6 =	vld [tilespmem:s19+$0x150]  }
0x40: {  	s20 =	sadd.s32 $0x200, s20;
	v11 =	vadd.f32 v11, v7;
	v7 =	vld [tilespmem:s19+$0x160]  }
0x41: {  	[tilespmem:s19+$0x100] =	vst v12;
	v5 =	vadd.f32 v5, v10;
	v63 =	vld [tilespmem:s19+$0x170]  }
0x42: {  	[tilespmem:s19+$0x110] =	vst v11;
	v4 =	vadd.f32 v4, v9  }
0x43: {  	[tilespmem:s19+$0x120] =	vst v5;
	v3 =	vadd.f32 v3, v8  }
0x44: {  	[tilespmem:s19+$0x130] =	vst v4;
	v2 =	vadd.f32 v2, v6  }
0x45: {  	[tilespmem:s19+$0x140] =	vst v3;
	v1 =	vadd.f32 v1, v7  }
0x46: {  	s17 =	sadd.s32 $0x1, s17;
	[tilespmem:s19+$0x150] =	vst v2;
	v0 =	vadd.f32 v0, v63  }
0x47: {  	s18 =	sshll.u32 s18, $0x4;
	p0 =	sne.s32 s17, $0x7D;
	[tilespmem:s19+$0x160] =	vst v1  }
.Ltmp1:
0x48: {  	s18 =	sadd.s32 s7, s18;
	[tilespmem:s19+$0x170] =	vst v0;
	(pc) =	sbr.rel @p0 .LBB2_2-.Ltmp1, $4  }
0x49: {  	[hbm4b:s18+s2] =	stream.linear.scatter [tilespmem:s13], [sflag:$0x2], $0x2800, $0x38;
	[tilespmem:$0x5100] =	vst v63  }
0x4a: {  	_ =	swait.ge [sflag:s10], $0x2800  }
0x4b: {  	[sflag:s10] =	ssyncset.done $0x0  }
0x4c: {  	[sflag:s10] =	ssyncadd.s32 $0xFFFFD800  }
0x4d: {  	s16 =	sadd.s32 $0x1, s16  }
0x4e: {  	p0 =	sne.s32 s16, s9  }
.Ltmp2:
0x4f: {  	_ = 	snop;
	(pc) =	sbr.rel @p0 .LBB2_1-.Ltmp2, $1  }
0x50: {  	_ =	sdelay $0x3  }
0x51: {  	_ =	sfence.sel $0x180000  }
0x52: {  	[bflag:$0x0] =	sbarrier.arrive $0xFFFF  }
0x53: {  	p0 =	sne.s32 s3, $0x0;
	_ =	strace $0x90000047  }
0x54: {  	s0 =	sadd.s32 @!p0 $0x100000, s0;
	[bflag:$0x2] =	sbarrier.arrive $0xFFFF  }
0x55: {  	[sflag:s0] =	ssyncadd.tile.s32 @!p0 $0x1;
	_ =	shalt  }
.Lfunc_end2:
_tile_overlayer_lowered:
.L_overlay_start_2:
0x56: {  	(tag) =	ssettag $0x2  }
0x57: {  	s0 =	rddreg [dreg:$0x0];
	s2 =	stileid.u32  }
0x58: {  	s1 =	rddreg [dreg:$0x1];
	p0 =	sne.s32 s2, $0x0  }
0x59: {  	s3 =	rddreg [dreg:$0x2];
	[bflag:$0x3] =	sbarrier.arrive $0xFFFF;
	s2 =	simm.s32 @!p0 $0x1C02  }
0x5a: {  	[timem:s3], [sflag:s2] =	dma.local @!p0 [hbm:s0], s1  }
0x5b: {  	s0 =	simm.s32 @!p0 $0x2  }
0x5c: {  	_ =	swait.ge @!p0 [sflag:s0], s1  }
0x5d: {  	s1 =	ssub.s32 @!p0 $0x0, s1;
	[sflag:s0] =	ssyncset.done @!p0 $0x0  }
0x5e: {  	[sflag:s0] =	ssyncadd.s32 @!p0 s1  }
0x5f: {  	[bflag:$0x3] =	sbarrier.arrive $0xFFFF  }
0x60: {  	_ =	shalt  }

</sc_bundles>
